<compile_context>
chip_gen: v7x
topology: tpu7x:2x2x1
jax: 0.10.2.dev20260603
libtpu: 0.0.44.dev20260713+nightly
codegen_flags: <defaults>
</compile_context>

<pallas_src>
import functools

import jax
import jax.numpy as jnp
from jax import lax
from jax.experimental import pallas as pl
from jax.experimental.pallas import tpu as pltpu
from jax.experimental.pallas import tpu_sc as plsc

EMBED_DIM = 64
NUM_CONCEPTS = 36
NUM_CORES = 2
NUM_SUBCORES = 16
NUM_WORKERS = NUM_CORES * NUM_SUBCORES
GROUP = 8
NBUF = 2


def _lookup(table, idx3):
    nw, rows_w, ncol = idx3.shape
    nrows = nw * rows_w
    ngroups = rows_w // GROUP
    mesh = plsc.VectorSubcoreMesh(core_axis_name="c", subcore_axis_name="s")

    @functools.partial(
        pl.kernel,
        out_type=jax.ShapeDtypeStruct((nrows, ncol, EMBED_DIM), jnp.float32),
        mesh=mesh,
        scratch_types=[
            pltpu.VMEM((rows_w, ncol), jnp.int32),
            pltpu.VMEM((GROUP, ncol, EMBED_DIM), jnp.float32),
            pltpu.VMEM((GROUP, ncol, EMBED_DIM), jnp.float32),
            pltpu.VMEM_SHARED((NUM_CONCEPTS, EMBED_DIM), jnp.float32),
            pltpu.SemaphoreType.DMA,
            pltpu.SemaphoreType.DMA,
            pltpu.SemaphoreType.DMA,
            pltpu.SemaphoreType.DMA,
        ],
        compiler_params=pltpu.CompilerParams(use_tc_tiling_on_sc=False),
    )
    def k(table_hbm, idx_hbm, out_hbm, idx_v, buf0, buf1, table_sh,
          gs0, gs1, ss0, ss1):
        sid = lax.axis_index("s")
        wid = sid * NUM_CORES + lax.axis_index("c")

        @pl.when(sid == 0)
        def _():
            pltpu.sync_copy(table_hbm, table_sh)

        pltpu.sync_copy(idx_hbm.at[wid], idx_v)
        plsc.subcore_barrier()
        base_row = wid * rows_w
        bufs = (buf0, buf1)
        gsems = (gs0, gs1)
        ssems = (ss0, ss1)

        def fire_group(p, bi):
            for s in range(GROUP):
                pltpu.async_copy(
                    table_sh.at[idx_v.at[p * GROUP + s]],
                    bufs[bi].at[s],
                    gsems[bi],
                )

        for bi in range(NBUF):
            fire_group(bi, bi)

        def outer(g, carry):
            for bi in range(NBUF):
                p = g + bi
                pltpu.make_async_copy(
                    out_hbm.at[pl.ds(0, GROUP)], bufs[bi], gsems[bi]
                ).wait()
                out_slice = out_hbm.at[pl.ds(base_row + p * GROUP, GROUP)]
                sc = pltpu.async_copy(bufs[bi], out_slice, ssems[bi])
                sc.wait()

                @pl.when(p + NBUF < ngroups)
                def _():
                    fire_group(p + NBUF, bi)

            return carry

        lax.fori_loop(0, ngroups // NBUF, lambda i, c: outer(i * NBUF, c), 0)

    return k(table, idx3)


def kernel(concept_idx, concepts_weight):
    n, ncol = concept_idx.shape
    idx3 = concept_idx.astype(jnp.int32).reshape(
        NUM_WORKERS, n // NUM_WORKERS, ncol)
    return _lookup(concepts_weight.astype(jnp.float32), idx3)

# --- scband reference (transcript-rebuilt; emitter-appended) ---
"""Pipeline reference for scband-shared-soul-64802466562119 (READ-ONLY COPY).

The authoritative reference and input builder live on the scoring server;
editing this copy changes nothing except your own understanding.
"""

import jax, jax.numpy as jnp
import numpy as np

NUM_CONCEPTS = 36
EMBED_DIM = 64

def setup_inputs(seed: int = 0) -> dict:
    key = jax.random.key(seed)
    k_idx, k_w = jax.random.split(key)
    concept_idx = jax.random.randint(k_idx, (16384, 50), 0, NUM_CONCEPTS, dtype=jnp.int64 if jax.config.jax_enable_x64 else jnp.int32)
    # Learned parameter: embedding table, orthogonal-initialized like nn.init.orthogonal_
    a = jax.random.normal(k_w, (NUM_CONCEPTS, EMBED_DIM), dtype=jnp.float32)
    q, r = jnp.linalg.qr(a.T)  # QR on (EMBED_DIM, NUM_CONCEPTS)
    d = jnp.sign(jnp.diagonal(r))
    concepts_weight = (q * d[None, :]).T  # (NUM_CONCEPTS, EMBED_DIM), rows orthonormal
    return {"concept_idx": concept_idx, "concepts_weight": concepts_weight}

def reference(concept_idx, concepts_weight):
    # SharedSoul.encode: nn.Embedding lookup -> gather rows of the table
    return jnp.take(concepts_weight, concept_idx, axis=0)

if __name__ == "__main__":
    import jax
    _d = setup_inputs()
    print(jax.jit(kernel)(*tuple(_d.values())))

</pallas_src>

<mosaic_0001>
#map = affine_map<(d0, d1) -> (0, 0)>
#map1 = affine_map<(d0, d1) -> (0, 0, 0)>
module attributes {stable_mosaic.version = 14 : i64} {
  func.func @k(%arg0: i32, %arg1: i32, %arg2: memref<36x64xf32, #tpu.memory_space<hbm>>, %arg3: memref<32x512x50xi32, #tpu.memory_space<hbm>>, %arg4: memref<16384x50x64xf32, #tpu.memory_space<hbm>>, %arg5: memref<512x50xi32, #tpu.memory_space<vmem>>, %arg6: memref<8x50x64xf32, #tpu.memory_space<vmem>>, %arg7: memref<8x50x64xf32, #tpu.memory_space<vmem>>, %arg8: memref<36x64xf32, #tpu.memory_space<vmem_shared>>, %arg9: memref<!tpu.dma_semaphore, #tpu.memory_space<semaphore_mem>>, %arg10: memref<!tpu.dma_semaphore, #tpu.memory_space<semaphore_mem>>, %arg11: memref<!tpu.dma_semaphore, #tpu.memory_space<semaphore_mem>>, %arg12: memref<!tpu.dma_semaphore, #tpu.memory_space<semaphore_mem>>) attributes {dimension_semantics = [#tpu.dimension_semantics<core_parallel>, #tpu.dimension_semantics<subcore_parallel>], iteration_bounds = array<i64: 2, 16>, scalar_prefetch = 0 : i64, scratch_operands = 8 : i64, tpu.core_type = #tpu.core_type<sc_vector_subcore>, window_params = [{transform_indices = #map}, {transform_indices = #map1}, {transform_indices = #map1}]} {
    %mul3A = arith.constant 2 : i32
    %mul3A_0 = arith.muli %arg1, %mul3A : i32
    %add3A = arith.addi %mul3A_0, %arg0 : i32
    %eq3A = arith.constant 0 : i32
    %eq3A_1 = arith.cmpi eq, %arg1, %eq3A : i32
    %convert_element_type3A = arith.extui %eq3A_1 : i1 to i32
    %cond3A = arith.constant 0 : i32
    %cond3A_2 = arith.cmpi ne, %convert_element_type3A, %cond3A : i32
    scf.if %cond3A_2 {
      "tpu.region"() ({
        %run_scoped3A = tpu.sem_alloc : memref<!tpu.dma_semaphore, #tpu.memory_space<semaphore_mem>>
        tpu.enqueue_dma source(%arg2 : memref<36x64xf32, #tpu.memory_space<hbm>>) target(%arg8 : memref<36x64xf32, #tpu.memory_space<vmem_shared>>) target_semaphore(%run_scoped3A : memref<!tpu.dma_semaphore, #tpu.memory_space<semaphore_mem>>)
        tpu.wait_dma2 semaphore(%run_scoped3A : memref<!tpu.dma_semaphore, #tpu.memory_space<semaphore_mem>>) src(%arg2 : memref<36x64xf32, #tpu.memory_space<hbm>>) dst(%arg8 : memref<36x64xf32, #tpu.memory_space<vmem_shared>>)
        tpu.yield
      }) : () -> ()
    } else {
    }
    "tpu.region"() ({
      %run_scoped3A = tpu.sem_alloc : memref<!tpu.dma_semaphore, #tpu.memory_space<semaphore_mem>>
      %dma_start3A_201 = arith.constant 0 : i32
      %dma_start3A_202 = arith.constant 0 : i32
      %dma_start3A_203 = tpu.memref_slice %arg3[%add3A, %dma_start3A_201, %dma_start3A_202] : memref<32x512x50xi32, #tpu.memory_space<hbm>> -> memref<1x512x50xi32, #tpu.memory_space<hbm>>
      %dma_start3A_204 = tpu.memref_squeeze %dma_start3A_203 : memref<1x512x50xi32, #tpu.memory_space<hbm>> -> memref<512x50xi32, #tpu.memory_space<hbm>>
      %dma_start3A_205 = arith.constant 0 : i32
      %dma_start3A_206 = arith.constant 0 : i32
      %dma_start3A_207 = tpu.memref_slice %arg3[%add3A, %dma_start3A_205, %dma_start3A_206] : memref<32x512x50xi32, #tpu.memory_space<hbm>> -> memref<1x512x50xi32, #tpu.memory_space<hbm>>
      %dma_start3A_208 = tpu.memref_squeeze %dma_start3A_207 : memref<1x512x50xi32, #tpu.memory_space<hbm>> -> memref<512x50xi32, #tpu.memory_space<hbm>>
      tpu.enqueue_dma source(%dma_start3A_208 : memref<512x50xi32, #tpu.memory_space<hbm>>) target(%arg5 : memref<512x50xi32, #tpu.memory_space<vmem>>) target_semaphore(%run_scoped3A : memref<!tpu.dma_semaphore, #tpu.memory_space<semaphore_mem>>)
      %dma_wait3A = arith.constant 0 : i32
      %dma_wait3A_209 = arith.constant 0 : i32
      %dma_wait3A_210 = tpu.memref_slice %arg3[%add3A, %dma_wait3A, %dma_wait3A_209] : memref<32x512x50xi32, #tpu.memory_space<hbm>> -> memref<1x512x50xi32, #tpu.memory_space<hbm>>
      %dma_wait3A_211 = tpu.memref_squeeze %dma_wait3A_210 : memref<1x512x50xi32, #tpu.memory_space<hbm>> -> memref<512x50xi32, #tpu.memory_space<hbm>>
      %dma_wait3A_212 = arith.constant 0 : i32
      %dma_wait3A_213 = arith.constant 0 : i32
      %dma_wait3A_214 = tpu.memref_slice %arg3[%add3A, %dma_wait3A_212, %dma_wait3A_213] : memref<32x512x50xi32, #tpu.memory_space<hbm>> -> memref<1x512x50xi32, #tpu.memory_space<hbm>>
      %dma_wait3A_215 = tpu.memref_squeeze %dma_wait3A_214 : memref<1x512x50xi32, #tpu.memory_space<hbm>> -> memref<512x50xi32, #tpu.memory_space<hbm>>
      tpu.wait_dma2 semaphore(%run_scoped3A : memref<!tpu.dma_semaphore, #tpu.memory_space<semaphore_mem>>) src(%dma_wait3A_215 : memref<512x50xi32, #tpu.memory_space<hbm>>) dst(%arg5 : memref<512x50xi32, #tpu.memory_space<vmem>>)
      tpu.yield
    }) : () -> ()
    %barrier3A = arith.constant 0 : index
    tpu.barrier barrier_id(%barrier3A)
    %mul3A_3 = arith.constant 512 : i32
    %mul3A_4 = arith.muli %add3A, %mul3A_3 : i32
    %dma_start3A = arith.constant 0 : i32
    %dma_start3A_5 = arith.constant 0 : i32
    %dma_start3A_6 = arith.constant 0 : i32
    %dma_start3A_7 = arith.constant 0 : i32
    %dma_start3A_8 = tpu.memref_slice %arg6[%dma_start3A_5, %dma_start3A_6, %dma_start3A_7] : memref<8x50x64xf32, #tpu.memory_space<vmem>> -> memref<1x50x64xf32, #tpu.memory_space<vmem>>
    %dma_start3A_9 = tpu.memref_squeeze %dma_start3A_8 : memref<1x50x64xf32, #tpu.memory_space<vmem>> -> memref<50x64xf32, #tpu.memory_space<vmem>>
    %dma_start3A_10 = arith.constant 0 : i32
    %dma_start3A_11 = tpu.memref_slice %arg5[%dma_start3A, %dma_start3A_10] : memref<512x50xi32, #tpu.memory_space<vmem>> -> memref<1x50xi32, #tpu.memory_space<vmem>>
    %dma_start3A_12 = tpu.memref_squeeze %dma_start3A_11 : memref<1x50xi32, #tpu.memory_space<vmem>> -> memref<50xi32, #tpu.memory_space<vmem>>
    %dma_start3A_13 = arith.constant 0 : i32
    %dma_start3A_14 = arith.constant 0 : i32
    %dma_start3A_15 = tpu.memref_slice %arg8[%dma_start3A_13, %dma_start3A_14] : memref<36x64xf32, #tpu.memory_space<vmem_shared>> -> memref<36x64xf32, #tpu.memory_space<vmem_shared>>
    tpu.enqueue_indirect_dma source(%dma_start3A_15 : memref<36x64xf32, #tpu.memory_space<vmem_shared>>) target(%dma_start3A_9 : memref<50x64xf32, #tpu.memory_space<vmem>>) offsets(%dma_start3A_12 : memref<50xi32, #tpu.memory_space<vmem>>) semaphore(%arg9 : memref<!tpu.dma_semaphore, #tpu.memory_space<semaphore_mem>>)
    %dma_start3A_16 = arith.constant 1 : i32
    %dma_start3A_17 = arith.constant 1 : i32
    %dma_start3A_18 = arith.constant 0 : i32
    %dma_start3A_19 = arith.constant 0 : i32
    %dma_start3A_20 = tpu.memref_slice %arg6[%dma_start3A_17, %dma_start3A_18, %dma_start3A_19] : memref<8x50x64xf32, #tpu.memory_space<vmem>> -> memref<1x50x64xf32, #tpu.memory_space<vmem>>
    %dma_start3A_21 = tpu.memref_squeeze %dma_start3A_20 : memref<1x50x64xf32, #tpu.memory_space<vmem>> -> memref<50x64xf32, #tpu.memory_space<vmem>>
    %dma_start3A_22 = arith.constant 0 : i32
    %dma_start3A_23 = tpu.memref_slice %arg5[%dma_start3A_16, %dma_start3A_22] : memref<512x50xi32, #tpu.memory_space<vmem>> -> memref<1x50xi32, #tpu.memory_space<vmem>>
    %dma_start3A_24 = tpu.memref_squeeze %dma_start3A_23 : memref<1x50xi32, #tpu.memory_space<vmem>> -> memref<50xi32, #tpu.memory_space<vmem>>
    %dma_start3A_25 = arith.constant 0 : i32
    %dma_start3A_26 = arith.constant 0 : i32
    %dma_start3A_27 = tpu.memref_slice %arg8[%dma_start3A_25, %dma_start3A_26] : memref<36x64xf32, #tpu.memory_space<vmem_shared>> -> memref<36x64xf32, #tpu.memory_space<vmem_shared>>
    tpu.enqueue_indirect_dma source(%dma_start3A_27 : memref<36x64xf32, #tpu.memory_space<vmem_shared>>) target(%dma_start3A_21 : memref<50x64xf32, #tpu.memory_space<vmem>>) offsets(%dma_start3A_24 : memref<50xi32, #tpu.memory_space<vmem>>) semaphore(%arg9 : memref<!tpu.dma_semaphore, #tpu.memory_space<semaphore_mem>>)
    %dma_start3A_28 = arith.constant 2 : i32
    %dma_start3A_29 = arith.constant 2 : i32
    %dma_start3A_30 = arith.constant 0 : i32
    %dma_start3A_31 = arith.constant 0 : i32
    %dma_start3A_32 = tpu.memref_slice %arg6[%dma_start3A_29, %dma_start3A_30, %dma_start3A_31] : memref<8x50x64xf32, #tpu.memory_space<vmem>> -> memref<1x50x64xf32, #tpu.memory_space<vmem>>
    %dma_start3A_33 = tpu.memref_squeeze %dma_start3A_32 : memref<1x50x64xf32, #tpu.memory_space<vmem>> -> memref<50x64xf32, #tpu.memory_space<vmem>>
    %dma_start3A_34 = arith.constant 0 : i32
    %dma_start3A_35 = tpu.memref_slice %arg5[%dma_start3A_28, %dma_start3A_34] : memref<512x50xi32, #tpu.memory_space<vmem>> -> memref<1x50xi32, #tpu.memory_space<vmem>>
    %dma_start3A_36 = tpu.memref_squeeze %dma_start3A_35 : memref<1x50xi32, #tpu.memory_space<vmem>> -> memref<50xi32, #tpu.memory_space<vmem>>
    %dma_start3A_37 = arith.constant 0 : i32
    %dma_start3A_38 = arith.constant 0 : i32
    %dma_start3A_39 = tpu.memref_slice %arg8[%dma_start3A_37, %dma_start3A_38] : memref<36x64xf32, #tpu.memory_space<vmem_shared>> -> memref<36x64xf32, #tpu.memory_space<vmem_shared>>
    tpu.enqueue_indirect_dma source(%dma_start3A_39 : memref<36x64xf32, #tpu.memory_space<vmem_shared>>) target(%dma_start3A_33 : memref<50x64xf32, #tpu.memory_space<vmem>>) offsets(%dma_start3A_36 : memref<50xi32, #tpu.memory_space<vmem>>) semaphore(%arg9 : memref<!tpu.dma_semaphore, #tpu.memory_space<semaphore_mem>>)
    %dma_start3A_40 = arith.constant 3 : i32
    %dma_start3A_41 = arith.constant 3 : i32
    %dma_start3A_42 = arith.constant 0 : i32
    %dma_start3A_43 = arith.constant 0 : i32
    %dma_start3A_44 = tpu.memref_slice %arg6[%dma_start3A_41, %dma_start3A_42, %dma_start3A_43] : memref<8x50x64xf32, #tpu.memory_space<vmem>> -> memref<1x50x64xf32, #tpu.memory_space<vmem>>
    %dma_start3A_45 = tpu.memref_squeeze %dma_start3A_44 : memref<1x50x64xf32, #tpu.memory_space<vmem>> -> memref<50x64xf32, #tpu.memory_space<vmem>>
    %dma_start3A_46 = arith.constant 0 : i32
    %dma_start3A_47 = tpu.memref_slice %arg5[%dma_start3A_40, %dma_start3A_46] : memref<512x50xi32, #tpu.memory_space<vmem>> -> memref<1x50xi32, #tpu.memory_space<vmem>>
    %dma_start3A_48 = tpu.memref_squeeze %dma_start3A_47 : memref<1x50xi32, #tpu.memory_space<vmem>> -> memref<50xi32, #tpu.memory_space<vmem>>
    %dma_start3A_49 = arith.constant 0 : i32
    %dma_start3A_50 = arith.constant 0 : i32
    %dma_start3A_51 = tpu.memref_slice %arg8[%dma_start3A_49, %dma_start3A_50] : memref<36x64xf32, #tpu.memory_space<vmem_shared>> -> memref<36x64xf32, #tpu.memory_space<vmem_shared>>
    tpu.enqueue_indirect_dma source(%dma_start3A_51 : memref<36x64xf32, #tpu.memory_space<vmem_shared>>) target(%dma_start3A_45 : memref<50x64xf32, #tpu.memory_space<vmem>>) offsets(%dma_start3A_48 : memref<50xi32, #tpu.memory_space<vmem>>) semaphore(%arg9 : memref<!tpu.dma_semaphore, #tpu.memory_space<semaphore_mem>>)
    %dma_start3A_52 = arith.constant 4 : i32
    %dma_start3A_53 = arith.constant 4 : i32
    %dma_start3A_54 = arith.constant 0 : i32
    %dma_start3A_55 = arith.constant 0 : i32
    %dma_start3A_56 = tpu.memref_slice %arg6[%dma_start3A_53, %dma_start3A_54, %dma_start3A_55] : memref<8x50x64xf32, #tpu.memory_space<vmem>> -> memref<1x50x64xf32, #tpu.memory_space<vmem>>
    %dma_start3A_57 = tpu.memref_squeeze %dma_start3A_56 : memref<1x50x64xf32, #tpu.memory_space<vmem>> -> memref<50x64xf32, #tpu.memory_space<vmem>>
    %dma_start3A_58 = arith.constant 0 : i32
    %dma_start3A_59 = tpu.memref_slice %arg5[%dma_start3A_52, %dma_start3A_58] : memref<512x50xi32, #tpu.memory_space<vmem>> -> memref<1x50xi32, #tpu.memory_space<vmem>>
    %dma_start3A_60 = tpu.memref_squeeze %dma_start3A_59 : memref<1x50xi32, #tpu.memory_space<vmem>> -> memref<50xi32, #tpu.memory_space<vmem>>
    %dma_start3A_61 = arith.constant 0 : i32
    %dma_start3A_62 = arith.constant 0 : i32
    %dma_start3A_63 = tpu.memref_slice %arg8[%dma_start3A_61, %dma_start3A_62] : memref<36x64xf32, #tpu.memory_space<vmem_shared>> -> memref<36x64xf32, #tpu.memory_space<vmem_shared>>
    tpu.enqueue_indirect_dma source(%dma_start3A_63 : memref<36x64xf32, #tpu.memory_space<vmem_shared>>) target(%dma_start3A_57 : memref<50x64xf32, #tpu.memory_space<vmem>>) offsets(%dma_start3A_60 : memref<50xi32, #tpu.memory_space<vmem>>) semaphore(%arg9 : memref<!tpu.dma_semaphore, #tpu.memory_space<semaphore_mem>>)
    %dma_start3A_64 = arith.constant 5 : i32
    %dma_start3A_65 = arith.constant 5 : i32
    %dma_start3A_66 = arith.constant 0 : i32
    %dma_start3A_67 = arith.constant 0 : i32
    %dma_start3A_68 = tpu.memref_slice %arg6[%dma_start3A_65, %dma_start3A_66, %dma_start3A_67] : memref<8x50x64xf32, #tpu.memory_space<vmem>> -> memref<1x50x64xf32, #tpu.memory_space<vmem>>
    %dma_start3A_69 = tpu.memref_squeeze %dma_start3A_68 : memref<1x50x64xf32, #tpu.memory_space<vmem>> -> memref<50x64xf32, #tpu.memory_space<vmem>>
    %dma_start3A_70 = arith.constant 0 : i32
    %dma_start3A_71 = tpu.memref_slice %arg5[%dma_start3A_64, %dma_start3A_70] : memref<512x50xi32, #tpu.memory_space<vmem>> -> memref<1x50xi32, #tpu.memory_space<vmem>>
    %dma_start3A_72 = tpu.memref_squeeze %dma_start3A_71 : memref<1x50xi32, #tpu.memory_space<vmem>> -> memref<50xi32, #tpu.memory_space<vmem>>
    %dma_start3A_73 = arith.constant 0 : i32
    %dma_start3A_74 = arith.constant 0 : i32
    %dma_start3A_75 = tpu.memref_slice %arg8[%dma_start3A_73, %dma_start3A_74] : memref<36x64xf32, #tpu.memory_space<vmem_shared>> -> memref<36x64xf32, #tpu.memory_space<vmem_shared>>
    tpu.enqueue_indirect_dma source(%dma_start3A_75 : memref<36x64xf32, #tpu.memory_space<vmem_shared>>) target(%dma_start3A_69 : memref<50x64xf32, #tpu.memory_space<vmem>>) offsets(%dma_start3A_72 : memref<50xi32, #tpu.memory_space<vmem>>) semaphore(%arg9 : memref<!tpu.dma_semaphore, #tpu.memory_space<semaphore_mem>>)
    %dma_start3A_76 = arith.constant 6 : i32
    %dma_start3A_77 = arith.constant 6 : i32
    %dma_start3A_78 = arith.constant 0 : i32
    %dma_start3A_79 = arith.constant 0 : i32
    %dma_start3A_80 = tpu.memref_slice %arg6[%dma_start3A_77, %dma_start3A_78, %dma_start3A_79] : memref<8x50x64xf32, #tpu.memory_space<vmem>> -> memref<1x50x64xf32, #tpu.memory_space<vmem>>
    %dma_start3A_81 = tpu.memref_squeeze %dma_start3A_80 : memref<1x50x64xf32, #tpu.memory_space<vmem>> -> memref<50x64xf32, #tpu.memory_space<vmem>>
    %dma_start3A_82 = arith.constant 0 : i32
    %dma_start3A_83 = tpu.memref_slice %arg5[%dma_start3A_76, %dma_start3A_82] : memref<512x50xi32, #tpu.memory_space<vmem>> -> memref<1x50xi32, #tpu.memory_space<vmem>>
    %dma_start3A_84 = tpu.memref_squeeze %dma_start3A_83 : memref<1x50xi32, #tpu.memory_space<vmem>> -> memref<50xi32, #tpu.memory_space<vmem>>
    %dma_start3A_85 = arith.constant 0 : i32
    %dma_start3A_86 = arith.constant 0 : i32
    %dma_start3A_87 = tpu.memref_slice %arg8[%dma_start3A_85, %dma_start3A_86] : memref<36x64xf32, #tpu.memory_space<vmem_shared>> -> memref<36x64xf32, #tpu.memory_space<vmem_shared>>
    tpu.enqueue_indirect_dma source(%dma_start3A_87 : memref<36x64xf32, #tpu.memory_space<vmem_shared>>) target(%dma_start3A_81 : memref<50x64xf32, #tpu.memory_space<vmem>>) offsets(%dma_start3A_84 : memref<50xi32, #tpu.memory_space<vmem>>) semaphore(%arg9 : memref<!tpu.dma_semaphore, #tpu.memory_space<semaphore_mem>>)
    %dma_start3A_88 = arith.constant 7 : i32
    %dma_start3A_89 = arith.constant 7 : i32
    %dma_start3A_90 = arith.constant 0 : i32
    %dma_start3A_91 = arith.constant 0 : i32
    %dma_start3A_92 = tpu.memref_slice %arg6[%dma_start3A_89, %dma_start3A_90, %dma_start3A_91] : memref<8x50x64xf32, #tpu.memory_space<vmem>> -> memref<1x50x64xf32, #tpu.memory_space<vmem>>
    %dma_start3A_93 = tpu.memref_squeeze %dma_start3A_92 : memref<1x50x64xf32, #tpu.memory_space<vmem>> -> memref<50x64xf32, #tpu.memory_space<vmem>>
    %dma_start3A_94 = arith.constant 0 : i32
    %dma_start3A_95 = tpu.memref_slice %arg5[%dma_start3A_88, %dma_start3A_94] : memref<512x50xi32, #tpu.memory_space<vmem>> -> memref<1x50xi32, #tpu.memory_space<vmem>>
    %dma_start3A_96 = tpu.memref_squeeze %dma_start3A_95 : memref<1x50xi32, #tpu.memory_space<vmem>> -> memref<50xi32, #tpu.memory_space<vmem>>
    %dma_start3A_97 = arith.constant 0 : i32
    %dma_start3A_98 = arith.constant 0 : i32
    %dma_start3A_99 = tpu.memref_slice %arg8[%dma_start3A_97, %dma_start3A_98] : memref<36x64xf32, #tpu.memory_space<vmem_shared>> -> memref<36x64xf32, #tpu.memory_space<vmem_shared>>
    tpu.enqueue_indirect_dma source(%dma_start3A_99 : memref<36x64xf32, #tpu.memory_space<vmem_shared>>) target(%dma_start3A_93 : memref<50x64xf32, #tpu.memory_space<vmem>>) offsets(%dma_start3A_96 : memref<50xi32, #tpu.memory_space<vmem>>) semaphore(%arg9 : memref<!tpu.dma_semaphore, #tpu.memory_space<semaphore_mem>>)
    %dma_start3A_100 = arith.constant 8 : i32
    %dma_start3A_101 = arith.constant 0 : i32
    %dma_start3A_102 = arith.constant 0 : i32
    %dma_start3A_103 = arith.constant 0 : i32
    %dma_start3A_104 = tpu.memref_slice %arg7[%dma_start3A_101, %dma_start3A_102, %dma_start3A_103] : memref<8x50x64xf32, #tpu.memory_space<vmem>> -> memref<1x50x64xf32, #tpu.memory_space<vmem>>
    %dma_start3A_105 = tpu.memref_squeeze %dma_start3A_104 : memref<1x50x64xf32, #tpu.memory_space<vmem>> -> memref<50x64xf32, #tpu.memory_space<vmem>>
    %dma_start3A_106 = arith.constant 0 : i32
    %dma_start3A_107 = tpu.memref_slice %arg5[%dma_start3A_100, %dma_start3A_106] : memref<512x50xi32, #tpu.memory_space<vmem>> -> memref<1x50xi32, #tpu.memory_space<vmem>>
    %dma_start3A_108 = tpu.memref_squeeze %dma_start3A_107 : memref<1x50xi32, #tpu.memory_space<vmem>> -> memref<50xi32, #tpu.memory_space<vmem>>
    %dma_start3A_109 = arith.constant 0 : i32
    %dma_start3A_110 = arith.constant 0 : i32
    %dma_start3A_111 = tpu.memref_slice %arg8[%dma_start3A_109, %dma_start3A_110] : memref<36x64xf32, #tpu.memory_space<vmem_shared>> -> memref<36x64xf32, #tpu.memory_space<vmem_shared>>
    tpu.enqueue_indirect_dma source(%dma_start3A_111 : memref<36x64xf32, #tpu.memory_space<vmem_shared>>) target(%dma_start3A_105 : memref<50x64xf32, #tpu.memory_space<vmem>>) offsets(%dma_start3A_108 : memref<50xi32, #tpu.memory_space<vmem>>) semaphore(%arg10 : memref<!tpu.dma_semaphore, #tpu.memory_space<semaphore_mem>>)
    %dma_start3A_112 = arith.constant 9 : i32
    %dma_start3A_113 = arith.constant 1 : i32
    %dma_start3A_114 = arith.constant 0 : i32
    %dma_start3A_115 = arith.constant 0 : i32
    %dma_start3A_116 = tpu.memref_slice %arg7[%dma_start3A_113, %dma_start3A_114, %dma_start3A_115] : memref<8x50x64xf32, #tpu.memory_space<vmem>> -> memref<1x50x64xf32, #tpu.memory_space<vmem>>
    %dma_start3A_117 = tpu.memref_squeeze %dma_start3A_116 : memref<1x50x64xf32, #tpu.memory_space<vmem>> -> memref<50x64xf32, #tpu.memory_space<vmem>>
    %dma_start3A_118 = arith.constant 0 : i32
    %dma_start3A_119 = tpu.memref_slice %arg5[%dma_start3A_112, %dma_start3A_118] : memref<512x50xi32, #tpu.memory_space<vmem>> -> memref<1x50xi32, #tpu.memory_space<vmem>>
    %dma_start3A_120 = tpu.memref_squeeze %dma_start3A_119 : memref<1x50xi32, #tpu.memory_space<vmem>> -> memref<50xi32, #tpu.memory_space<vmem>>
    %dma_start3A_121 = arith.constant 0 : i32
    %dma_start3A_122 = arith.constant 0 : i32
    %dma_start3A_123 = tpu.memref_slice %arg8[%dma_start3A_121, %dma_start3A_122] : memref<36x64xf32, #tpu.memory_space<vmem_shared>> -> memref<36x64xf32, #tpu.memory_space<vmem_shared>>
    tpu.enqueue_indirect_dma source(%dma_start3A_123 : memref<36x64xf32, #tpu.memory_space<vmem_shared>>) target(%dma_start3A_117 : memref<50x64xf32, #tpu.memory_space<vmem>>) offsets(%dma_start3A_120 : memref<50xi32, #tpu.memory_space<vmem>>) semaphore(%arg10 : memref<!tpu.dma_semaphore, #tpu.memory_space<semaphore_mem>>)
    %dma_start3A_124 = arith.constant 10 : i32
    %dma_start3A_125 = arith.constant 2 : i32
    %dma_start3A_126 = arith.constant 0 : i32
    %dma_start3A_127 = arith.constant 0 : i32
    %dma_start3A_128 = tpu.memref_slice %arg7[%dma_start3A_125, %dma_start3A_126, %dma_start3A_127] : memref<8x50x64xf32, #tpu.memory_space<vmem>> -> memref<1x50x64xf32, #tpu.memory_space<vmem>>
    %dma_start3A_129 = tpu.memref_squeeze %dma_start3A_128 : memref<1x50x64xf32, #tpu.memory_space<vmem>> -> memref<50x64xf32, #tpu.memory_space<vmem>>
    %dma_start3A_130 = arith.constant 0 : i32
    %dma_start3A_131 = tpu.memref_slice %arg5[%dma_start3A_124, %dma_start3A_130] : memref<512x50xi32, #tpu.memory_space<vmem>> -> memref<1x50xi32, #tpu.memory_space<vmem>>
    %dma_start3A_132 = tpu.memref_squeeze %dma_start3A_131 : memref<1x50xi32, #tpu.memory_space<vmem>> -> memref<50xi32, #tpu.memory_space<vmem>>
    %dma_start3A_133 = arith.constant 0 : i32
    %dma_start3A_134 = arith.constant 0 : i32
    %dma_start3A_135 = tpu.memref_slice %arg8[%dma_start3A_133, %dma_start3A_134] : memref<36x64xf32, #tpu.memory_space<vmem_shared>> -> memref<36x64xf32, #tpu.memory_space<vmem_shared>>
    tpu.enqueue_indirect_dma source(%dma_start3A_135 : memref<36x64xf32, #tpu.memory_space<vmem_shared>>) target(%dma_start3A_129 : memref<50x64xf32, #tpu.memory_space<vmem>>) offsets(%dma_start3A_132 : memref<50xi32, #tpu.memory_space<vmem>>) semaphore(%arg10 : memref<!tpu.dma_semaphore, #tpu.memory_space<semaphore_mem>>)
    %dma_start3A_136 = arith.constant 11 : i32
    %dma_start3A_137 = arith.constant 3 : i32
    %dma_start3A_138 = arith.constant 0 : i32
    %dma_start3A_139 = arith.constant 0 : i32
    %dma_start3A_140 = tpu.memref_slice %arg7[%dma_start3A_137, %dma_start3A_138, %dma_start3A_139] : memref<8x50x64xf32, #tpu.memory_space<vmem>> -> memref<1x50x64xf32, #tpu.memory_space<vmem>>
    %dma_start3A_141 = tpu.memref_squeeze %dma_start3A_140 : memref<1x50x64xf32, #tpu.memory_space<vmem>> -> memref<50x64xf32, #tpu.memory_space<vmem>>
    %dma_start3A_142 = arith.constant 0 : i32
    %dma_start3A_143 = tpu.memref_slice %arg5[%dma_start3A_136, %dma_start3A_142] : memref<512x50xi32, #tpu.memory_space<vmem>> -> memref<1x50xi32, #tpu.memory_space<vmem>>
    %dma_start3A_144 = tpu.memref_squeeze %dma_start3A_143 : memref<1x50xi32, #tpu.memory_space<vmem>> -> memref<50xi32, #tpu.memory_space<vmem>>
    %dma_start3A_145 = arith.constant 0 : i32
    %dma_start3A_146 = arith.constant 0 : i32
    %dma_start3A_147 = tpu.memref_slice %arg8[%dma_start3A_145, %dma_start3A_146] : memref<36x64xf32, #tpu.memory_space<vmem_shared>> -> memref<36x64xf32, #tpu.memory_space<vmem_shared>>
    tpu.enqueue_indirect_dma source(%dma_start3A_147 : memref<36x64xf32, #tpu.memory_space<vmem_shared>>) target(%dma_start3A_141 : memref<50x64xf32, #tpu.memory_space<vmem>>) offsets(%dma_start3A_144 : memref<50xi32, #tpu.memory_space<vmem>>) semaphore(%arg10 : memref<!tpu.dma_semaphore, #tpu.memory_space<semaphore_mem>>)
    %dma_start3A_148 = arith.constant 12 : i32
    %dma_start3A_149 = arith.constant 4 : i32
    %dma_start3A_150 = arith.constant 0 : i32
    %dma_start3A_151 = arith.constant 0 : i32
    %dma_start3A_152 = tpu.memref_slice %arg7[%dma_start3A_149, %dma_start3A_150, %dma_start3A_151] : memref<8x50x64xf32, #tpu.memory_space<vmem>> -> memref<1x50x64xf32, #tpu.memory_space<vmem>>
    %dma_start3A_153 = tpu.memref_squeeze %dma_start3A_152 : memref<1x50x64xf32, #tpu.memory_space<vmem>> -> memref<50x64xf32, #tpu.memory_space<vmem>>
    %dma_start3A_154 = arith.constant 0 : i32
    %dma_start3A_155 = tpu.memref_slice %arg5[%dma_start3A_148, %dma_start3A_154] : memref<512x50xi32, #tpu.memory_space<vmem>> -> memref<1x50xi32, #tpu.memory_space<vmem>>
    %dma_start3A_156 = tpu.memref_squeeze %dma_start3A_155 : memref<1x50xi32, #tpu.memory_space<vmem>> -> memref<50xi32, #tpu.memory_space<vmem>>
    %dma_start3A_157 = arith.constant 0 : i32
    %dma_start3A_158 = arith.constant 0 : i32
    %dma_start3A_159 = tpu.memref_slice %arg8[%dma_start3A_157, %dma_start3A_158] : memref<36x64xf32, #tpu.memory_space<vmem_shared>> -> memref<36x64xf32, #tpu.memory_space<vmem_shared>>
    tpu.enqueue_indirect_dma source(%dma_start3A_159 : memref<36x64xf32, #tpu.memory_space<vmem_shared>>) target(%dma_start3A_153 : memref<50x64xf32, #tpu.memory_space<vmem>>) offsets(%dma_start3A_156 : memref<50xi32, #tpu.memory_space<vmem>>) semaphore(%arg10 : memref<!tpu.dma_semaphore, #tpu.memory_space<semaphore_mem>>)
    %dma_start3A_160 = arith.constant 13 : i32
    %dma_start3A_161 = arith.constant 5 : i32
    %dma_start3A_162 = arith.constant 0 : i32
    %dma_start3A_163 = arith.constant 0 : i32
    %dma_start3A_164 = tpu.memref_slice %arg7[%dma_start3A_161, %dma_start3A_162, %dma_start3A_163] : memref<8x50x64xf32, #tpu.memory_space<vmem>> -> memref<1x50x64xf32, #tpu.memory_space<vmem>>
    %dma_start3A_165 = tpu.memref_squeeze %dma_start3A_164 : memref<1x50x64xf32, #tpu.memory_space<vmem>> -> memref<50x64xf32, #tpu.memory_space<vmem>>
    %dma_start3A_166 = arith.constant 0 : i32
    %dma_start3A_167 = tpu.memref_slice %arg5[%dma_start3A_160, %dma_start3A_166] : memref<512x50xi32, #tpu.memory_space<vmem>> -> memref<1x50xi32, #tpu.memory_space<vmem>>
    %dma_start3A_168 = tpu.memref_squeeze %dma_start3A_167 : memref<1x50xi32, #tpu.memory_space<vmem>> -> memref<50xi32, #tpu.memory_space<vmem>>
    %dma_start3A_169 = arith.constant 0 : i32
    %dma_start3A_170 = arith.constant 0 : i32
    %dma_start3A_171 = tpu.memref_slice %arg8[%dma_start3A_169, %dma_start3A_170] : memref<36x64xf32, #tpu.memory_space<vmem_shared>> -> memref<36x64xf32, #tpu.memory_space<vmem_shared>>
    tpu.enqueue_indirect_dma source(%dma_start3A_171 : memref<36x64xf32, #tpu.memory_space<vmem_shared>>) target(%dma_start3A_165 : memref<50x64xf32, #tpu.memory_space<vmem>>) offsets(%dma_start3A_168 : memref<50xi32, #tpu.memory_space<vmem>>) semaphore(%arg10 : memref<!tpu.dma_semaphore, #tpu.memory_space<semaphore_mem>>)
    %dma_start3A_172 = arith.constant 14 : i32
    %dma_start3A_173 = arith.constant 6 : i32
    %dma_start3A_174 = arith.constant 0 : i32
    %dma_start3A_175 = arith.constant 0 : i32
    %dma_start3A_176 = tpu.memref_slice %arg7[%dma_start3A_173, %dma_start3A_174, %dma_start3A_175] : memref<8x50x64xf32, #tpu.memory_space<vmem>> -> memref<1x50x64xf32, #tpu.memory_space<vmem>>
    %dma_start3A_177 = tpu.memref_squeeze %dma_start3A_176 : memref<1x50x64xf32, #tpu.memory_space<vmem>> -> memref<50x64xf32, #tpu.memory_space<vmem>>
    %dma_start3A_178 = arith.constant 0 : i32
    %dma_start3A_179 = tpu.memref_slice %arg5[%dma_start3A_172, %dma_start3A_178] : memref<512x50xi32, #tpu.memory_space<vmem>> -> memref<1x50xi32, #tpu.memory_space<vmem>>
    %dma_start3A_180 = tpu.memref_squeeze %dma_start3A_179 : memref<1x50xi32, #tpu.memory_space<vmem>> -> memref<50xi32, #tpu.memory_space<vmem>>
    %dma_start3A_181 = arith.constant 0 : i32
    %dma_start3A_182 = arith.constant 0 : i32
    %dma_start3A_183 = tpu.memref_slice %arg8[%dma_start3A_181, %dma_start3A_182] : memref<36x64xf32, #tpu.memory_space<vmem_shared>> -> memref<36x64xf32, #tpu.memory_space<vmem_shared>>
    tpu.enqueue_indirect_dma source(%dma_start3A_183 : memref<36x64xf32, #tpu.memory_space<vmem_shared>>) target(%dma_start3A_177 : memref<50x64xf32, #tpu.memory_space<vmem>>) offsets(%dma_start3A_180 : memref<50xi32, #tpu.memory_space<vmem>>) semaphore(%arg10 : memref<!tpu.dma_semaphore, #tpu.memory_space<semaphore_mem>>)
    %dma_start3A_184 = arith.constant 15 : i32
    %dma_start3A_185 = arith.constant 7 : i32
    %dma_start3A_186 = arith.constant 0 : i32
    %dma_start3A_187 = arith.constant 0 : i32
    %dma_start3A_188 = tpu.memref_slice %arg7[%dma_start3A_185, %dma_start3A_186, %dma_start3A_187] : memref<8x50x64xf32, #tpu.memory_space<vmem>> -> memref<1x50x64xf32, #tpu.memory_space<vmem>>
    %dma_start3A_189 = tpu.memref_squeeze %dma_start3A_188 : memref<1x50x64xf32, #tpu.memory_space<vmem>> -> memref<50x64xf32, #tpu.memory_space<vmem>>
    %dma_start3A_190 = arith.constant 0 : i32
    %dma_start3A_191 = tpu.memref_slice %arg5[%dma_start3A_184, %dma_start3A_190] : memref<512x50xi32, #tpu.memory_space<vmem>> -> memref<1x50xi32, #tpu.memory_space<vmem>>
    %dma_start3A_192 = tpu.memref_squeeze %dma_start3A_191 : memref<1x50xi32, #tpu.memory_space<vmem>> -> memref<50xi32, #tpu.memory_space<vmem>>
    %dma_start3A_193 = arith.constant 0 : i32
    %dma_start3A_194 = arith.constant 0 : i32
    %dma_start3A_195 = tpu.memref_slice %arg8[%dma_start3A_193, %dma_start3A_194] : memref<36x64xf32, #tpu.memory_space<vmem_shared>> -> memref<36x64xf32, #tpu.memory_space<vmem_shared>>
    tpu.enqueue_indirect_dma source(%dma_start3A_195 : memref<36x64xf32, #tpu.memory_space<vmem_shared>>) target(%dma_start3A_189 : memref<50x64xf32, #tpu.memory_space<vmem>>) offsets(%dma_start3A_192 : memref<50xi32, #tpu.memory_space<vmem>>) semaphore(%arg10 : memref<!tpu.dma_semaphore, #tpu.memory_space<semaphore_mem>>)
    %scan3A = arith.constant 0 : i32
    %scan3A_196 = arith.constant 0 : i32
    %scan3A_197 = arith.constant 32 : i32
    %scan3A_198 = arith.addi %scan3A_196, %scan3A_197 : i32
    %scan3A_199 = arith.constant 1 : i32
    scf.for %scan3A_201 = %scan3A_196 to %scan3A_198 step %scan3A_199  : i32 {
      %mul3A_202 = arith.constant 2 : i32
      %mul3A_203 = arith.muli %scan3A_201, %mul3A_202 : i32
      %add3A_204 = arith.constant 0 : i32
      %add3A_205 = arith.addi %mul3A_203, %add3A_204 : i32
      %dma_wait3A = arith.constant 0 : i32
      %dma_wait3A_206 = arith.constant 0 : i32
      %dma_wait3A_207 = arith.constant 0 : i32
      %dma_wait3A_208 = tpu.memref_slice %arg4[%dma_wait3A, %dma_wait3A_206, %dma_wait3A_207] : memref<16384x50x64xf32, #tpu.memory_space<hbm>> -> memref<8x50x64xf32, #tpu.memory_space<hbm>>
      %dma_wait3A_209 = arith.constant 0 : i32
      %dma_wait3A_210 = arith.constant 0 : i32
      %dma_wait3A_211 = arith.constant 0 : i32
      %dma_wait3A_212 = tpu.memref_slice %arg4[%dma_wait3A_209, %dma_wait3A_210, %dma_wait3A_211] : memref<16384x50x64xf32, #tpu.memory_space<hbm>> -> memref<8x50x64xf32, #tpu.memory_space<hbm>>
      tpu.wait_dma2 semaphore(%arg9 : memref<!tpu.dma_semaphore, #tpu.memory_space<semaphore_mem>>) src(%dma_wait3A_212 : memref<8x50x64xf32, #tpu.memory_space<hbm>>) dst(%arg6 : memref<8x50x64xf32, #tpu.memory_space<vmem>>)
      %mul3A_213 = arith.constant 8 : i32
      %mul3A_214 = arith.muli %add3A_205, %mul3A_213 : i32
      %add3A_215 = arith.addi %mul3A_4, %mul3A_214 : i32
      %dma_start3A_216 = arith.constant 0 : i32
      %dma_start3A_217 = arith.constant 0 : i32
      %dma_start3A_218 = tpu.memref_slice %arg4[%add3A_215, %dma_start3A_216, %dma_start3A_217] : memref<16384x50x64xf32, #tpu.memory_space<hbm>> -> memref<8x50x64xf32, #tpu.memory_space<hbm>>
      %dma_start3A_219 = arith.constant 0 : i32
      %dma_start3A_220 = arith.constant 0 : i32
      %dma_start3A_221 = tpu.memref_slice %arg4[%add3A_215, %dma_start3A_219, %dma_start3A_220] : memref<16384x50x64xf32, #tpu.memory_space<hbm>> -> memref<8x50x64xf32, #tpu.memory_space<hbm>>
      tpu.enqueue_dma source(%arg6 : memref<8x50x64xf32, #tpu.memory_space<vmem>>) target(%dma_start3A_221 : memref<8x50x64xf32, #tpu.memory_space<hbm>>) target_semaphore(%arg11 : memref<!tpu.dma_semaphore, #tpu.memory_space<semaphore_mem>>)
      %dma_wait3A_222 = arith.constant 0 : i32
      %dma_wait3A_223 = arith.constant 0 : i32
      %dma_wait3A_224 = tpu.memref_slice %arg4[%add3A_215, %dma_wait3A_222, %dma_wait3A_223] : memref<16384x50x64xf32, #tpu.memory_space<hbm>> -> memref<8x50x64xf32, #tpu.memory_space<hbm>>
      %dma_wait3A_225 = arith.constant 0 : i32
      %dma_wait3A_226 = arith.constant 0 : i32
      %dma_wait3A_227 = tpu.memref_slice %arg4[%add3A_215, %dma_wait3A_225, %dma_wait3A_226] : memref<16384x50x64xf32, #tpu.memory_space<hbm>> -> memref<8x50x64xf32, #tpu.memory_space<hbm>>
      tpu.wait_dma2 semaphore(%arg11 : memref<!tpu.dma_semaphore, #tpu.memory_space<semaphore_mem>>) src(%arg6 : memref<8x50x64xf32, #tpu.memory_space<vmem>>) dst(%dma_wait3A_227 : memref<8x50x64xf32, #tpu.memory_space<hbm>>)
      %add3A_228 = arith.constant 2 : i32
      %add3A_229 = arith.addi %add3A_205, %add3A_228 : i32
      %lt3A = arith.constant 64 : i32
      %lt3A_230 = arith.cmpi slt, %add3A_229, %lt3A : i32
      %convert_element_type3A_231 = arith.extui %lt3A_230 : i1 to i32
      %cond3A_232 = arith.constant 0 : i32
      %cond3A_233 = arith.cmpi ne, %convert_element_type3A_231, %cond3A_232 : i32
      scf.if %cond3A_233 {
        %add3A_266 = arith.constant 2 : i32
        %add3A_267 = arith.addi %add3A_205, %add3A_266 : i32
        %mul3A_268 = arith.constant 8 : i32
        %mul3A_269 = arith.muli %add3A_267, %mul3A_268 : i32
        %add3A_270 = arith.constant 0 : i32
        %add3A_271 = arith.addi %mul3A_269, %add3A_270 : i32
        %dma_start3A_272 = arith.constant 0 : i32
        %dma_start3A_273 = arith.constant 0 : i32
        %dma_start3A_274 = arith.constant 0 : i32
        %dma_start3A_275 = tpu.memref_slice %arg6[%dma_start3A_272, %dma_start3A_273, %dma_start3A_274] : memref<8x50x64xf32, #tpu.memory_space<vmem>> -> memref<1x50x64xf32, #tpu.memory_space<vmem>>
        %dma_start3A_276 = tpu.memref_squeeze %dma_start3A_275 : memref<1x50x64xf32, #tpu.memory_space<vmem>> -> memref<50x64xf32, #tpu.memory_space<vmem>>
        %dma_start3A_277 = arith.constant 0 : i32
        %dma_start3A_278 = tpu.memref_slice %arg5[%add3A_271, %dma_start3A_277] : memref<512x50xi32, #tpu.memory_space<vmem>> -> memref<1x50xi32, #tpu.memory_space<vmem>>
        %dma_start3A_279 = tpu.memref_squeeze %dma_start3A_278 : memref<1x50xi32, #tpu.memory_space<vmem>> -> memref<50xi32, #tpu.memory_space<vmem>>
        %dma_start3A_280 = arith.constant 0 : i32
        %dma_start3A_281 = arith.constant 0 : i32
        %dma_start3A_282 = tpu.memref_slice %arg8[%dma_start3A_280, %dma_start3A_281] : memref<36x64xf32, #tpu.memory_space<vmem_shared>> -> memref<36x64xf32, #tpu.memory_space<vmem_shared>>
        tpu.enqueue_indirect_dma source(%dma_start3A_282 : memref<36x64xf32, #tpu.memory_space<vmem_shared>>) target(%dma_start3A_276 : memref<50x64xf32, #tpu.memory_space<vmem>>) offsets(%dma_start3A_279 : memref<50xi32, #tpu.memory_space<vmem>>) semaphore(%arg9 : memref<!tpu.dma_semaphore, #tpu.memory_space<semaphore_mem>>)
        %mul3A_283 = arith.constant 8 : i32
        %mul3A_284 = arith.muli %add3A_267, %mul3A_283 : i32
        %add3A_285 = arith.constant 1 : i32
        %add3A_286 = arith.addi %mul3A_284, %add3A_285 : i32
        %dma_start3A_287 = arith.constant 1 : i32
        %dma_start3A_288 = arith.constant 0 : i32
        %dma_start3A_289 = arith.constant 0 : i32
        %dma_start3A_290 = tpu.memref_slice %arg6[%dma_start3A_287, %dma_start3A_288, %dma_start3A_289] : memref<8x50x64xf32, #tpu.memory_space<vmem>> -> memref<1x50x64xf32, #tpu.memory_space<vmem>>
        %dma_start3A_291 = tpu.memref_squeeze %dma_start3A_290 : memref<1x50x64xf32, #tpu.memory_space<vmem>> -> memref<50x64xf32, #tpu.memory_space<vmem>>
        %dma_start3A_292 = arith.constant 0 : i32
        %dma_start3A_293 = tpu.memref_slice %arg5[%add3A_286, %dma_start3A_292] : memref<512x50xi32, #tpu.memory_space<vmem>> -> memref<1x50xi32, #tpu.memory_space<vmem>>
        %dma_start3A_294 = tpu.memref_squeeze %dma_start3A_293 : memref<1x50xi32, #tpu.memory_space<vmem>> -> memref<50xi32, #tpu.memory_space<vmem>>
        %dma_start3A_295 = arith.constant 0 : i32
        %dma_start3A_296 = arith.constant 0 : i32
        %dma_start3A_297 = tpu.memref_slice %arg8[%dma_start3A_295, %dma_start3A_296] : memref<36x64xf32, #tpu.memory_space<vmem_shared>> -> memref<36x64xf32, #tpu.memory_space<vmem_shared>>
        tpu.enqueue_indirect_dma source(%dma_start3A_297 : memref<36x64xf32, #tpu.memory_space<vmem_shared>>) target(%dma_start3A_291 : memref<50x64xf32, #tpu.memory_space<vmem>>) offsets(%dma_start3A_294 : memref<50xi32, #tpu.memory_space<vmem>>) semaphore(%arg9 : memref<!tpu.dma_semaphore, #tpu.memory_space<semaphore_mem>>)
        %mul3A_298 = arith.constant 8 : i32
        %mul3A_299 = arith.muli %add3A_267, %mul3A_298 : i32
        %add3A_300 = arith.constant 2 : i32
        %add3A_301 = arith.addi %mul3A_299, %add3A_300 : i32
        %dma_start3A_302 = arith.constant 2 : i32
        %dma_start3A_303 = arith.constant 0 : i32
        %dma_start3A_304 = arith.constant 0 : i32
        %dma_start3A_305 = tpu.memref_slice %arg6[%dma_start3A_302, %dma_start3A_303, %dma_start3A_304] : memref<8x50x64xf32, #tpu.memory_space<vmem>> -> memref<1x50x64xf32, #tpu.memory_space<vmem>>
        %dma_start3A_306 = tpu.memref_squeeze %dma_start3A_305 : memref<1x50x64xf32, #tpu.memory_space<vmem>> -> memref<50x64xf32, #tpu.memory_space<vmem>>
        %dma_start3A_307 = arith.constant 0 : i32
        %dma_start3A_308 = tpu.memref_slice %arg5[%add3A_301, %dma_start3A_307] : memref<512x50xi32, #tpu.memory_space<vmem>> -> memref<1x50xi32, #tpu.memory_space<vmem>>
        %dma_start3A_309 = tpu.memref_squeeze %dma_start3A_308 : memref<1x50xi32, #tpu.memory_space<vmem>> -> memref<50xi32, #tpu.memory_space<vmem>>
        %dma_start3A_310 = arith.constant 0 : i32
        %dma_start3A_311 = arith.constant 0 : i32
        %dma_start3A_312 = tpu.memref_slice %arg8[%dma_start3A_310, %dma_start3A_311] : memref<36x64xf32, #tpu.memory_space<vmem_shared>> -> memref<36x64xf32, #tpu.memory_space<vmem_shared>>
        tpu.enqueue_indirect_dma source(%dma_start3A_312 : memref<36x64xf32, #tpu.memory_space<vmem_shared>>) target(%dma_start3A_306 : memref<50x64xf32, #tpu.memory_space<vmem>>) offsets(%dma_start3A_309 : memref<50xi32, #tpu.memory_space<vmem>>) semaphore(%arg9 : memref<!tpu.dma_semaphore, #tpu.memory_space<semaphore_mem>>)
        %mul3A_313 = arith.constant 8 : i32
        %mul3A_314 = arith.muli %add3A_267, %mul3A_313 : i32
        %add3A_315 = arith.constant 3 : i32
        %add3A_316 = arith.addi %mul3A_314, %add3A_315 : i32
        %dma_start3A_317 = arith.constant 3 : i32
        %dma_start3A_318 = arith.constant 0 : i32
        %dma_start3A_319 = arith.constant 0 : i32
        %dma_start3A_320 = tpu.memref_slice %arg6[%dma_start3A_317, %dma_start3A_318, %dma_start3A_319] : memref<8x50x64xf32, #tpu.memory_space<vmem>> -> memref<1x50x64xf32, #tpu.memory_space<vmem>>
        %dma_start3A_321 = tpu.memref_squeeze %dma_start3A_320 : memref<1x50x64xf32, #tpu.memory_space<vmem>> -> memref<50x64xf32, #tpu.memory_space<vmem>>
        %dma_start3A_322 = arith.constant 0 : i32
        %dma_start3A_323 = tpu.memref_slice %arg5[%add3A_316, %dma_start3A_322] : memref<512x50xi32, #tpu.memory_space<vmem>> -> memref<1x50xi32, #tpu.memory_space<vmem>>
        %dma_start3A_324 = tpu.memref_squeeze %dma_start3A_323 : memref<1x50xi32, #tpu.memory_space<vmem>> -> memref<50xi32, #tpu.memory_space<vmem>>
        %dma_start3A_325 = arith.constant 0 : i32
        %dma_start3A_326 = arith.constant 0 : i32
        %dma_start3A_327 = tpu.memref_slice %arg8[%dma_start3A_325, %dma_start3A_326] : memref<36x64xf32, #tpu.memory_space<vmem_shared>> -> memref<36x64xf32, #tpu.memory_space<vmem_shared>>
        tpu.enqueue_indirect_dma source(%dma_start3A_327 : memref<36x64xf32, #tpu.memory_space<vmem_shared>>) target(%dma_start3A_321 : memref<50x64xf32, #tpu.memory_space<vmem>>) offsets(%dma_start3A_324 : memref<50xi32, #tpu.memory_space<vmem>>) semaphore(%arg9 : memref<!tpu.dma_semaphore, #tpu.memory_space<semaphore_mem>>)
        %mul3A_328 = arith.constant 8 : i32
        %mul3A_329 = arith.muli %add3A_267, %mul3A_328 : i32
        %add3A_330 = arith.constant 4 : i32
        %add3A_331 = arith.addi %mul3A_329, %add3A_330 : i32
        %dma_start3A_332 = arith.constant 4 : i32
        %dma_start3A_333 = arith.constant 0 : i32
        %dma_start3A_334 = arith.constant 0 : i32
        %dma_start3A_335 = tpu.memref_slice %arg6[%dma_start3A_332, %dma_start3A_333, %dma_start3A_334] : memref<8x50x64xf32, #tpu.memory_space<vmem>> -> memref<1x50x64xf32, #tpu.memory_space<vmem>>
        %dma_start3A_336 = tpu.memref_squeeze %dma_start3A_335 : memref<1x50x64xf32, #tpu.memory_space<vmem>> -> memref<50x64xf32, #tpu.memory_space<vmem>>
        %dma_start3A_337 = arith.constant 0 : i32
        %dma_start3A_338 = tpu.memref_slice %arg5[%add3A_331, %dma_start3A_337] : memref<512x50xi32, #tpu.memory_space<vmem>> -> memref<1x50xi32, #tpu.memory_space<vmem>>
        %dma_start3A_339 = tpu.memref_squeeze %dma_start3A_338 : memref<1x50xi32, #tpu.memory_space<vmem>> -> memref<50xi32, #tpu.memory_space<vmem>>
        %dma_start3A_340 = arith.constant 0 : i32
        %dma_start3A_341 = arith.constant 0 : i32
        %dma_start3A_342 = tpu.memref_slice %arg8[%dma_start3A_340, %dma_start3A_341] : memref<36x64xf32, #tpu.memory_space<vmem_shared>> -> memref<36x64xf32, #tpu.memory_space<vmem_shared>>
        tpu.enqueue_indirect_dma source(%dma_start3A_342 : memref<36x64xf32, #tpu.memory_space<vmem_shared>>) target(%dma_start3A_336 : memref<50x64xf32, #tpu.memory_space<vmem>>) offsets(%dma_start3A_339 : memref<50xi32, #tpu.memory_space<vmem>>) semaphore(%arg9 : memref<!tpu.dma_semaphore, #tpu.memory_space<semaphore_mem>>)
        %mul3A_343 = arith.constant 8 : i32
        %mul3A_344 = arith.muli %add3A_267, %mul3A_343 : i32
        %add3A_345 = arith.constant 5 : i32
        %add3A_346 = arith.addi %mul3A_344, %add3A_345 : i32
        %dma_start3A_347 = arith.constant 5 : i32
        %dma_start3A_348 = arith.constant 0 : i32
        %dma_start3A_349 = arith.constant 0 : i32
        %dma_start3A_350 = tpu.memref_slice %arg6[%dma_start3A_347, %dma_start3A_348, %dma_start3A_349] : memref<8x50x64xf32, #tpu.memory_space<vmem>> -> memref<1x50x64xf32, #tpu.memory_space<vmem>>
        %dma_start3A_351 = tpu.memref_squeeze %dma_start3A_350 : memref<1x50x64xf32, #tpu.memory_space<vmem>> -> memref<50x64xf32, #tpu.memory_space<vmem>>
        %dma_start3A_352 = arith.constant 0 : i32
        %dma_start3A_353 = tpu.memref_slice %arg5[%add3A_346, %dma_start3A_352] : memref<512x50xi32, #tpu.memory_space<vmem>> -> memref<1x50xi32, #tpu.memory_space<vmem>>
        %dma_start3A_354 = tpu.memref_squeeze %dma_start3A_353 : memref<1x50xi32, #tpu.memory_space<vmem>> -> memref<50xi32, #tpu.memory_space<vmem>>
        %dma_start3A_355 = arith.constant 0 : i32
        %dma_start3A_356 = arith.constant 0 : i32
        %dma_start3A_357 = tpu.memref_slice %arg8[%dma_start3A_355, %dma_start3A_356] : memref<36x64xf32, #tpu.memory_space<vmem_shared>> -> memref<36x64xf32, #tpu.memory_space<vmem_shared>>
        tpu.enqueue_indirect_dma source(%dma_start3A_357 : memref<36x64xf32, #tpu.memory_space<vmem_shared>>) target(%dma_start3A_351 : memref<50x64xf32, #tpu.memory_space<vmem>>) offsets(%dma_start3A_354 : memref<50xi32, #tpu.memory_space<vmem>>) semaphore(%arg9 : memref<!tpu.dma_semaphore, #tpu.memory_space<semaphore_mem>>)
        %mul3A_358 = arith.constant 8 : i32
        %mul3A_359 = arith.muli %add3A_267, %mul3A_358 : i32
        %add3A_360 = arith.constant 6 : i32
        %add3A_361 = arith.addi %mul3A_359, %add3A_360 : i32
        %dma_start3A_362 = arith.constant 6 : i32
        %dma_start3A_363 = arith.constant 0 : i32
        %dma_start3A_364 = arith.constant 0 : i32
        %dma_start3A_365 = tpu.memref_slice %arg6[%dma_start3A_362, %dma_start3A_363, %dma_start3A_364] : memref<8x50x64xf32, #tpu.memory_space<vmem>> -> memref<1x50x64xf32, #tpu.memory_space<vmem>>
        %dma_start3A_366 = tpu.memref_squeeze %dma_start3A_365 : memref<1x50x64xf32, #tpu.memory_space<vmem>> -> memref<50x64xf32, #tpu.memory_space<vmem>>
        %dma_start3A_367 = arith.constant 0 : i32
        %dma_start3A_368 = tpu.memref_slice %arg5[%add3A_361, %dma_start3A_367] : memref<512x50xi32, #tpu.memory_space<vmem>> -> memref<1x50xi32, #tpu.memory_space<vmem>>
        %dma_start3A_369 = tpu.memref_squeeze %dma_start3A_368 : memref<1x50xi32, #tpu.memory_space<vmem>> -> memref<50xi32, #tpu.memory_space<vmem>>
        %dma_start3A_370 = arith.constant 0 : i32
        %dma_start3A_371 = arith.constant 0 : i32
        %dma_start3A_372 = tpu.memref_slice %arg8[%dma_start3A_370, %dma_start3A_371] : memref<36x64xf32, #tpu.memory_space<vmem_shared>> -> memref<36x64xf32, #tpu.memory_space<vmem_shared>>
        tpu.enqueue_indirect_dma source(%dma_start3A_372 : memref<36x64xf32, #tpu.memory_space<vmem_shared>>) target(%dma_start3A_366 : memref<50x64xf32, #tpu.memory_space<vmem>>) offsets(%dma_start3A_369 : memref<50xi32, #tpu.memory_space<vmem>>) semaphore(%arg9 : memref<!tpu.dma_semaphore, #tpu.memory_space<semaphore_mem>>)
        %mul3A_373 = arith.constant 8 : i32
        %mul3A_374 = arith.muli %add3A_267, %mul3A_373 : i32
        %add3A_375 = arith.constant 7 : i32
        %add3A_376 = arith.addi %mul3A_374, %add3A_375 : i32
        %dma_start3A_377 = arith.constant 7 : i32
        %dma_start3A_378 = arith.constant 0 : i32
        %dma_start3A_379 = arith.constant 0 : i32
        %dma_start3A_380 = tpu.memref_slice %arg6[%dma_start3A_377, %dma_start3A_378, %dma_start3A_379] : memref<8x50x64xf32, #tpu.memory_space<vmem>> -> memref<1x50x64xf32, #tpu.memory_space<vmem>>
        %dma_start3A_381 = tpu.memref_squeeze %dma_start3A_380 : memref<1x50x64xf32, #tpu.memory_space<vmem>> -> memref<50x64xf32, #tpu.memory_space<vmem>>
        %dma_start3A_382 = arith.constant 0 : i32
        %dma_start3A_383 = tpu.memref_slice %arg5[%add3A_376, %dma_start3A_382] : memref<512x50xi32, #tpu.memory_space<vmem>> -> memref<1x50xi32, #tpu.memory_space<vmem>>
        %dma_start3A_384 = tpu.memref_squeeze %dma_start3A_383 : memref<1x50xi32, #tpu.memory_space<vmem>> -> memref<50xi32, #tpu.memory_space<vmem>>
        %dma_start3A_385 = arith.constant 0 : i32
        %dma_start3A_386 = arith.constant 0 : i32
        %dma_start3A_387 = tpu.memref_slice %arg8[%dma_start3A_385, %dma_start3A_386] : memref<36x64xf32, #tpu.memory_space<vmem_shared>> -> memref<36x64xf32, #tpu.memory_space<vmem_shared>>
        tpu.enqueue_indirect_dma source(%dma_start3A_387 : memref<36x64xf32, #tpu.memory_space<vmem_shared>>) target(%dma_start3A_381 : memref<50x64xf32, #tpu.memory_space<vmem>>) offsets(%dma_start3A_384 : memref<50xi32, #tpu.memory_space<vmem>>) semaphore(%arg9 : memref<!tpu.dma_semaphore, #tpu.memory_space<semaphore_mem>>)
      } else {
      }
      %add3A_234 = arith.constant 1 : i32
      %add3A_235 = arith.addi %mul3A_203, %add3A_234 : i32
      %dma_wait3A_236 = arith.constant 0 : i32
      %dma_wait3A_237 = arith.constant 0 : i32
      %dma_wait3A_238 = arith.constant 0 : i32
      %dma_wait3A_239 = tpu.memref_slice %arg4[%dma_wait3A_236, %dma_wait3A_237, %dma_wait3A_238] : memref<16384x50x64xf32, #tpu.memory_space<hbm>> -> memref<8x50x64xf32, #tpu.memory_space<hbm>>
      %dma_wait3A_240 = arith.constant 0 : i32
      %dma_wait3A_241 = arith.constant 0 : i32
      %dma_wait3A_242 = arith.constant 0 : i32
      %dma_wait3A_243 = tpu.memref_slice %arg4[%dma_wait3A_240, %dma_wait3A_241, %dma_wait3A_242] : memref<16384x50x64xf32, #tpu.memory_space<hbm>> -> memref<8x50x64xf32, #tpu.memory_space<hbm>>
      tpu.wait_dma2 semaphore(%arg10 : memref<!tpu.dma_semaphore, #tpu.memory_space<semaphore_mem>>) src(%dma_wait3A_243 : memref<8x50x64xf32, #tpu.memory_space<hbm>>) dst(%arg7 : memref<8x50x64xf32, #tpu.memory_space<vmem>>)
      %mul3A_244 = arith.constant 8 : i32
      %mul3A_245 = arith.muli %add3A_235, %mul3A_244 : i32
      %add3A_246 = arith.addi %mul3A_4, %mul3A_245 : i32
      %dma_start3A_247 = arith.constant 0 : i32
      %dma_start3A_248 = arith.constant 0 : i32
      %dma_start3A_249 = tpu.memref_slice %arg4[%add3A_246, %dma_start3A_247, %dma_start3A_248] : memref<16384x50x64xf32, #tpu.memory_space<hbm>> -> memref<8x50x64xf32, #tpu.memory_space<hbm>>
      %dma_start3A_250 = arith.constant 0 : i32
      %dma_start3A_251 = arith.constant 0 : i32
      %dma_start3A_252 = tpu.memref_slice %arg4[%add3A_246, %dma_start3A_250, %dma_start3A_251] : memref<16384x50x64xf32, #tpu.memory_space<hbm>> -> memref<8x50x64xf32, #tpu.memory_space<hbm>>
      tpu.enqueue_dma source(%arg7 : memref<8x50x64xf32, #tpu.memory_space<vmem>>) target(%dma_start3A_252 : memref<8x50x64xf32, #tpu.memory_space<hbm>>) target_semaphore(%arg12 : memref<!tpu.dma_semaphore, #tpu.memory_space<semaphore_mem>>)
      %dma_wait3A_253 = arith.constant 0 : i32
      %dma_wait3A_254 = arith.constant 0 : i32
      %dma_wait3A_255 = tpu.memref_slice %arg4[%add3A_246, %dma_wait3A_253, %dma_wait3A_254] : memref<16384x50x64xf32, #tpu.memory_space<hbm>> -> memref<8x50x64xf32, #tpu.memory_space<hbm>>
      %dma_wait3A_256 = arith.constant 0 : i32
      %dma_wait3A_257 = arith.constant 0 : i32
      %dma_wait3A_258 = tpu.memref_slice %arg4[%add3A_246, %dma_wait3A_256, %dma_wait3A_257] : memref<16384x50x64xf32, #tpu.memory_space<hbm>> -> memref<8x50x64xf32, #tpu.memory_space<hbm>>
      tpu.wait_dma2 semaphore(%arg12 : memref<!tpu.dma_semaphore, #tpu.memory_space<semaphore_mem>>) src(%arg7 : memref<8x50x64xf32, #tpu.memory_space<vmem>>) dst(%dma_wait3A_258 : memref<8x50x64xf32, #tpu.memory_space<hbm>>)
      %add3A_259 = arith.constant 2 : i32
      %add3A_260 = arith.addi %add3A_235, %add3A_259 : i32
      %lt3A_261 = arith.constant 64 : i32
      %lt3A_262 = arith.cmpi slt, %add3A_260, %lt3A_261 : i32
      %convert_element_type3A_263 = arith.extui %lt3A_262 : i1 to i32
      %cond3A_264 = arith.constant 0 : i32
      %cond3A_265 = arith.cmpi ne, %convert_element_type3A_263, %cond3A_264 : i32
      scf.if %cond3A_265 {
        %add3A_266 = arith.constant 2 : i32
        %add3A_267 = arith.addi %add3A_235, %add3A_266 : i32
        %mul3A_268 = arith.constant 8 : i32
        %mul3A_269 = arith.muli %add3A_267, %mul3A_268 : i32
        %add3A_270 = arith.constant 0 : i32
        %add3A_271 = arith.addi %mul3A_269, %add3A_270 : i32
        %dma_start3A_272 = arith.constant 0 : i32
        %dma_start3A_273 = arith.constant 0 : i32
        %dma_start3A_274 = arith.constant 0 : i32
        %dma_start3A_275 = tpu.memref_slice %arg7[%dma_start3A_272, %dma_start3A_273, %dma_start3A_274] : memref<8x50x64xf32, #tpu.memory_space<vmem>> -> memref<1x50x64xf32, #tpu.memory_space<vmem>>
        %dma_start3A_276 = tpu.memref_squeeze %dma_start3A_275 : memref<1x50x64xf32, #tpu.memory_space<vmem>> -> memref<50x64xf32, #tpu.memory_space<vmem>>
        %dma_start3A_277 = arith.constant 0 : i32
        %dma_start3A_278 = tpu.memref_slice %arg5[%add3A_271, %dma_start3A_277] : memref<512x50xi32, #tpu.memory_space<vmem>> -> memref<1x50xi32, #tpu.memory_space<vmem>>
        %dma_start3A_279 = tpu.memref_squeeze %dma_start3A_278 : memref<1x50xi32, #tpu.memory_space<vmem>> -> memref<50xi32, #tpu.memory_space<vmem>>
        %dma_start3A_280 = arith.constant 0 : i32
        %dma_start3A_281 = arith.constant 0 : i32
        %dma_start3A_282 = tpu.memref_slice %arg8[%dma_start3A_280, %dma_start3A_281] : memref<36x64xf32, #tpu.memory_space<vmem_shared>> -> memref<36x64xf32, #tpu.memory_space<vmem_shared>>
        tpu.enqueue_indirect_dma source(%dma_start3A_282 : memref<36x64xf32, #tpu.memory_space<vmem_shared>>) target(%dma_start3A_276 : memref<50x64xf32, #tpu.memory_space<vmem>>) offsets(%dma_start3A_279 : memref<50xi32, #tpu.memory_space<vmem>>) semaphore(%arg10 : memref<!tpu.dma_semaphore, #tpu.memory_space<semaphore_mem>>)
        %mul3A_283 = arith.constant 8 : i32
        %mul3A_284 = arith.muli %add3A_267, %mul3A_283 : i32
        %add3A_285 = arith.constant 1 : i32
        %add3A_286 = arith.addi %mul3A_284, %add3A_285 : i32
        %dma_start3A_287 = arith.constant 1 : i32
        %dma_start3A_288 = arith.constant 0 : i32
        %dma_start3A_289 = arith.constant 0 : i32
        %dma_start3A_290 = tpu.memref_slice %arg7[%dma_start3A_287, %dma_start3A_288, %dma_start3A_289] : memref<8x50x64xf32, #tpu.memory_space<vmem>> -> memref<1x50x64xf32, #tpu.memory_space<vmem>>
        %dma_start3A_291 = tpu.memref_squeeze %dma_start3A_290 : memref<1x50x64xf32, #tpu.memory_space<vmem>> -> memref<50x64xf32, #tpu.memory_space<vmem>>
        %dma_start3A_292 = arith.constant 0 : i32
        %dma_start3A_293 = tpu.memref_slice %arg5[%add3A_286, %dma_start3A_292] : memref<512x50xi32, #tpu.memory_space<vmem>> -> memref<1x50xi32, #tpu.memory_space<vmem>>
        %dma_start3A_294 = tpu.memref_squeeze %dma_start3A_293 : memref<1x50xi32, #tpu.memory_space<vmem>> -> memref<50xi32, #tpu.memory_space<vmem>>
        %dma_start3A_295 = arith.constant 0 : i32
        %dma_start3A_296 = arith.constant 0 : i32
        %dma_start3A_297 = tpu.memref_slice %arg8[%dma_start3A_295, %dma_start3A_296] : memref<36x64xf32, #tpu.memory_space<vmem_shared>> -> memref<36x64xf32, #tpu.memory_space<vmem_shared>>
        tpu.enqueue_indirect_dma source(%dma_start3A_297 : memref<36x64xf32, #tpu.memory_space<vmem_shared>>) target(%dma_start3A_291 : memref<50x64xf32, #tpu.memory_space<vmem>>) offsets(%dma_start3A_294 : memref<50xi32, #tpu.memory_space<vmem>>) semaphore(%arg10 : memref<!tpu.dma_semaphore, #tpu.memory_space<semaphore_mem>>)
        %mul3A_298 = arith.constant 8 : i32
        %mul3A_299 = arith.muli %add3A_267, %mul3A_298 : i32
        %add3A_300 = arith.constant 2 : i32
        %add3A_301 = arith.addi %mul3A_299, %add3A_300 : i32
        %dma_start3A_302 = arith.constant 2 : i32
        %dma_start3A_303 = arith.constant 0 : i32
        %dma_start3A_304 = arith.constant 0 : i32
        %dma_start3A_305 = tpu.memref_slice %arg7[%dma_start3A_302, %dma_start3A_303, %dma_start3A_304] : memref<8x50x64xf32, #tpu.memory_space<vmem>> -> memref<1x50x64xf32, #tpu.memory_space<vmem>>
        %dma_start3A_306 = tpu.memref_squeeze %dma_start3A_305 : memref<1x50x64xf32, #tpu.memory_space<vmem>> -> memref<50x64xf32, #tpu.memory_space<vmem>>
        %dma_start3A_307 = arith.constant 0 : i32
        %dma_start3A_308 = tpu.memref_slice %arg5[%add3A_301, %dma_start3A_307] : memref<512x50xi32, #tpu.memory_space<vmem>> -> memref<1x50xi32, #tpu.memory_space<vmem>>
        %dma_start3A_309 = tpu.memref_squeeze %dma_start3A_308 : memref<1x50xi32, #tpu.memory_space<vmem>> -> memref<50xi32, #tpu.memory_space<vmem>>
        %dma_start3A_310 = arith.constant 0 : i32
        %dma_start3A_311 = arith.constant 0 : i32
        %dma_start3A_312 = tpu.memref_slice %arg8[%dma_start3A_310, %dma_start3A_311] : memref<36x64xf32, #tpu.memory_space<vmem_shared>> -> memref<36x64xf32, #tpu.memory_space<vmem_shared>>
        tpu.enqueue_indirect_dma source(%dma_start3A_312 : memref<36x64xf32, #tpu.memory_space<vmem_shared>>) target(%dma_start3A_306 : memref<50x64xf32, #tpu.memory_space<vmem>>) offsets(%dma_start3A_309 : memref<50xi32, #tpu.memory_space<vmem>>) semaphore(%arg10 : memref<!tpu.dma_semaphore, #tpu.memory_space<semaphore_mem>>)
        %mul3A_313 = arith.constant 8 : i32
        %mul3A_314 = arith.muli %add3A_267, %mul3A_313 : i32
        %add3A_315 = arith.constant 3 : i32
        %add3A_316 = arith.addi %mul3A_314, %add3A_315 : i32
        %dma_start3A_317 = arith.constant 3 : i32
        %dma_start3A_318 = arith.constant 0 : i32
        %dma_start3A_319 = arith.constant 0 : i32
        %dma_start3A_320 = tpu.memref_slice %arg7[%dma_start3A_317, %dma_start3A_318, %dma_start3A_319] : memref<8x50x64xf32, #tpu.memory_space<vmem>> -> memref<1x50x64xf32, #tpu.memory_space<vmem>>
        %dma_start3A_321 = tpu.memref_squeeze %dma_start3A_320 : memref<1x50x64xf32, #tpu.memory_space<vmem>> -> memref<50x64xf32, #tpu.memory_space<vmem>>
        %dma_start3A_322 = arith.constant 0 : i32
        %dma_start3A_323 = tpu.memref_slice %arg5[%add3A_316, %dma_start3A_322] : memref<512x50xi32, #tpu.memory_space<vmem>> -> memref<1x50xi32, #tpu.memory_space<vmem>>
        %dma_start3A_324 = tpu.memref_squeeze %dma_start3A_323 : memref<1x50xi32, #tpu.memory_space<vmem>> -> memref<50xi32, #tpu.memory_space<vmem>>
        %dma_start3A_325 = arith.constant 0 : i32
        %dma_start3A_326 = arith.constant 0 : i32
        %dma_start3A_327 = tpu.memref_slice %arg8[%dma_start3A_325, %dma_start3A_326] : memref<36x64xf32, #tpu.memory_space<vmem_shared>> -> memref<36x64xf32, #tpu.memory_space<vmem_shared>>
        tpu.enqueue_indirect_dma source(%dma_start3A_327 : memref<36x64xf32, #tpu.memory_space<vmem_shared>>) target(%dma_start3A_321 : memref<50x64xf32, #tpu.memory_space<vmem>>) offsets(%dma_start3A_324 : memref<50xi32, #tpu.memory_space<vmem>>) semaphore(%arg10 : memref<!tpu.dma_semaphore, #tpu.memory_space<semaphore_mem>>)
        %mul3A_328 = arith.constant 8 : i32
        %mul3A_329 = arith.muli %add3A_267, %mul3A_328 : i32
        %add3A_330 = arith.constant 4 : i32
        %add3A_331 = arith.addi %mul3A_329, %add3A_330 : i32
        %dma_start3A_332 = arith.constant 4 : i32
        %dma_start3A_333 = arith.constant 0 : i32
        %dma_start3A_334 = arith.constant 0 : i32
        %dma_start3A_335 = tpu.memref_slice %arg7[%dma_start3A_332, %dma_start3A_333, %dma_start3A_334] : memref<8x50x64xf32, #tpu.memory_space<vmem>> -> memref<1x50x64xf32, #tpu.memory_space<vmem>>
        %dma_start3A_336 = tpu.memref_squeeze %dma_start3A_335 : memref<1x50x64xf32, #tpu.memory_space<vmem>> -> memref<50x64xf32, #tpu.memory_space<vmem>>
        %dma_start3A_337 = arith.constant 0 : i32
        %dma_start3A_338 = tpu.memref_slice %arg5[%add3A_331, %dma_start3A_337] : memref<512x50xi32, #tpu.memory_space<vmem>> -> memref<1x50xi32, #tpu.memory_space<vmem>>
        %dma_start3A_339 = tpu.memref_squeeze %dma_start3A_338 : memref<1x50xi32, #tpu.memory_space<vmem>> -> memref<50xi32, #tpu.memory_space<vmem>>
        %dma_start3A_340 = arith.constant 0 : i32
        %dma_start3A_341 = arith.constant 0 : i32
        %dma_start3A_342 = tpu.memref_slice %arg8[%dma_start3A_340, %dma_start3A_341] : memref<36x64xf32, #tpu.memory_space<vmem_shared>> -> memref<36x64xf32, #tpu.memory_space<vmem_shared>>
        tpu.enqueue_indirect_dma source(%dma_start3A_342 : memref<36x64xf32, #tpu.memory_space<vmem_shared>>) target(%dma_start3A_336 : memref<50x64xf32, #tpu.memory_space<vmem>>) offsets(%dma_start3A_339 : memref<50xi32, #tpu.memory_space<vmem>>) semaphore(%arg10 : memref<!tpu.dma_semaphore, #tpu.memory_space<semaphore_mem>>)
        %mul3A_343 = arith.constant 8 : i32
        %mul3A_344 = arith.muli %add3A_267, %mul3A_343 : i32
        %add3A_345 = arith.constant 5 : i32
        %add3A_346 = arith.addi %mul3A_344, %add3A_345 : i32
        %dma_start3A_347 = arith.constant 5 : i32
        %dma_start3A_348 = arith.constant 0 : i32
        %dma_start3A_349 = arith.constant 0 : i32
        %dma_start3A_350 = tpu.memref_slice %arg7[%dma_start3A_347, %dma_start3A_348, %dma_start3A_349] : memref<8x50x64xf32, #tpu.memory_space<vmem>> -> memref<1x50x64xf32, #tpu.memory_space<vmem>>
        %dma_start3A_351 = tpu.memref_squeeze %dma_start3A_350 : memref<1x50x64xf32, #tpu.memory_space<vmem>> -> memref<50x64xf32, #tpu.memory_space<vmem>>
        %dma_start3A_352 = arith.constant 0 : i32
        %dma_start3A_353 = tpu.memref_slice %arg5[%add3A_346, %dma_start3A_352] : memref<512x50xi32, #tpu.memory_space<vmem>> -> memref<1x50xi32, #tpu.memory_space<vmem>>
        %dma_start3A_354 = tpu.memref_squeeze %dma_start3A_353 : memref<1x50xi32, #tpu.memory_space<vmem>> -> memref<50xi32, #tpu.memory_space<vmem>>
        %dma_start3A_355 = arith.constant 0 : i32
        %dma_start3A_356 = arith.constant 0 : i32
        %dma_start3A_357 = tpu.memref_slice %arg8[%dma_start3A_355, %dma_start3A_356] : memref<36x64xf32, #tpu.memory_space<vmem_shared>> -> memref<36x64xf32, #tpu.memory_space<vmem_shared>>
        tpu.enqueue_indirect_dma source(%dma_start3A_357 : memref<36x64xf32, #tpu.memory_space<vmem_shared>>) target(%dma_start3A_351 : memref<50x64xf32, #tpu.memory_space<vmem>>) offsets(%dma_start3A_354 : memref<50xi32, #tpu.memory_space<vmem>>) semaphore(%arg10 : memref<!tpu.dma_semaphore, #tpu.memory_space<semaphore_mem>>)
        %mul3A_358 = arith.constant 8 : i32
        %mul3A_359 = arith.muli %add3A_267, %mul3A_358 : i32
        %add3A_360 = arith.constant 6 : i32
        %add3A_361 = arith.addi %mul3A_359, %add3A_360 : i32
        %dma_start3A_362 = arith.constant 6 : i32
        %dma_start3A_363 = arith.constant 0 : i32
        %dma_start3A_364 = arith.constant 0 : i32
        %dma_start3A_365 = tpu.memref_slice %arg7[%dma_start3A_362, %dma_start3A_363, %dma_start3A_364] : memref<8x50x64xf32, #tpu.memory_space<vmem>> -> memref<1x50x64xf32, #tpu.memory_space<vmem>>
        %dma_start3A_366 = tpu.memref_squeeze %dma_start3A_365 : memref<1x50x64xf32, #tpu.memory_space<vmem>> -> memref<50x64xf32, #tpu.memory_space<vmem>>
        %dma_start3A_367 = arith.constant 0 : i32
        %dma_start3A_368 = tpu.memref_slice %arg5[%add3A_361, %dma_start3A_367] : memref<512x50xi32, #tpu.memory_space<vmem>> -> memref<1x50xi32, #tpu.memory_space<vmem>>
        %dma_start3A_369 = tpu.memref_squeeze %dma_start3A_368 : memref<1x50xi32, #tpu.memory_space<vmem>> -> memref<50xi32, #tpu.memory_space<vmem>>
        %dma_start3A_370 = arith.constant 0 : i32
        %dma_start3A_371 = arith.constant 0 : i32
        %dma_start3A_372 = tpu.memref_slice %arg8[%dma_start3A_370, %dma_start3A_371] : memref<36x64xf32, #tpu.memory_space<vmem_shared>> -> memref<36x64xf32, #tpu.memory_space<vmem_shared>>
        tpu.enqueue_indirect_dma source(%dma_start3A_372 : memref<36x64xf32, #tpu.memory_space<vmem_shared>>) target(%dma_start3A_366 : memref<50x64xf32, #tpu.memory_space<vmem>>) offsets(%dma_start3A_369 : memref<50xi32, #tpu.memory_space<vmem>>) semaphore(%arg10 : memref<!tpu.dma_semaphore, #tpu.memory_space<semaphore_mem>>)
        %mul3A_373 = arith.constant 8 : i32
        %mul3A_374 = arith.muli %add3A_267, %mul3A_373 : i32
        %add3A_375 = arith.constant 7 : i32
        %add3A_376 = arith.addi %mul3A_374, %add3A_375 : i32
        %dma_start3A_377 = arith.constant 7 : i32
        %dma_start3A_378 = arith.constant 0 : i32
        %dma_start3A_379 = arith.constant 0 : i32
        %dma_start3A_380 = tpu.memref_slice %arg7[%dma_start3A_377, %dma_start3A_378, %dma_start3A_379] : memref<8x50x64xf32, #tpu.memory_space<vmem>> -> memref<1x50x64xf32, #tpu.memory_space<vmem>>
        %dma_start3A_381 = tpu.memref_squeeze %dma_start3A_380 : memref<1x50x64xf32, #tpu.memory_space<vmem>> -> memref<50x64xf32, #tpu.memory_space<vmem>>
        %dma_start3A_382 = arith.constant 0 : i32
        %dma_start3A_383 = tpu.memref_slice %arg5[%add3A_376, %dma_start3A_382] : memref<512x50xi32, #tpu.memory_space<vmem>> -> memref<1x50xi32, #tpu.memory_space<vmem>>
        %dma_start3A_384 = tpu.memref_squeeze %dma_start3A_383 : memref<1x50xi32, #tpu.memory_space<vmem>> -> memref<50xi32, #tpu.memory_space<vmem>>
        %dma_start3A_385 = arith.constant 0 : i32
        %dma_start3A_386 = arith.constant 0 : i32
        %dma_start3A_387 = tpu.memref_slice %arg8[%dma_start3A_385, %dma_start3A_386] : memref<36x64xf32, #tpu.memory_space<vmem_shared>> -> memref<36x64xf32, #tpu.memory_space<vmem_shared>>
        tpu.enqueue_indirect_dma source(%dma_start3A_387 : memref<36x64xf32, #tpu.memory_space<vmem_shared>>) target(%dma_start3A_381 : memref<50x64xf32, #tpu.memory_space<vmem>>) offsets(%dma_start3A_384 : memref<50xi32, #tpu.memory_space<vmem>>) semaphore(%arg10 : memref<!tpu.dma_semaphore, #tpu.memory_space<semaphore_mem>>)
      } else {
      }
    }
    %scan3A_200 = arith.constant 32 : i32
    return
  }
}

</mosaic_0001>

<sc_bundles>
// kernel: kernel.3.cloned.1.call-start
scs
__scs_entry_jumppad:
0x0: {  	(pc) =	sbr.rel $0x88, $3  }
0x1: {  	(tag) =	ssettag $0x0;
	lr =	simm.s32 $0x1  }
0x2: {  	[smem:$0x3F9F] =	sst lr;
	_ =	strace $0xD0000000  }
0x3: {  	_ = 	snop  }
0x4: {  	_ = 	snop  }
0x5: {  	_ = 	snop  }
0x6: {  	_ = 	snop  }
0x7: {  	_ = 	snop  }
__scs_overlays_trampoline_lowered:
0x8: {  	[smem:$0x3FAE] =	sst s0  }
0x9: {  	[smem:$0x3FAF] =	sst s1  }
0xa: {  	[smem:$0x3FB0] =	sst s2  }
0xb: {  	[smem:$0x3FB1] =	sst s3  }
0xc: {  	[smem:$0x3FB2] =	sst s4  }
0xd: {  	[smem:$0x3FB3] =	sst s5  }
0xe: {  	[smem:$0x3FB4] =	sst s6  }
0xf: {  	[smem:$0x3FB5] =	sst s7  }
0x10: {  	[smem:$0x3FB6] =	sst s8  }
0x11: {  	[smem:$0x3FB7] =	sst s9;
	s0 =	simm.s32 @!p0 $0x0  }
0x12: {  	s1 =	sld [smem:$0x3F9D];
	s0 =	simm.s32 @p0 $0x1  }
0x13: {  	[smem:$0x3FB8] =	sst s0;
	s0 =	simm.s32 @!p1 $0x0  }
0x14: {  	s2 =	sld [smem:$0x3F9C];
	s0 =	simm.s32 @p1 $0x1  }
0x15: {  	[smem:$0x3FB9] =	sst s0;
	s0 =	simm.s32 @!p2 $0x0  }
0x16: {  	s3 =	sld [smem:$0x3FDB];
	s0 =	simm.s32 @p2 $0x1  }
0x17: {  	s4 =	simm.s32 $0x1BF5;
	[smem:$0x3FBB] =	sst s0  }
0x18: {  	s0 =	sld [smem:$0x3F9E];
	_ =	swait.ge [sflag:s4], $0x0  }
0x19: {  	s7 =	sld [smem:$0x3F9F]  }
0x1a: {  	s8 =	sadd.s32 $0xFFFFE003, lr  }
0x1b: {  	s9 =	sadd.s32 $0xFFFFFEF7, lr;
	s5 =	simm.s32 $0xFFFFFFFF;
	p2 =	slt.u32 s8, $0xFFFFF086  }
0x1c: {  	p1 =	slt.u32 s9, $0xF7A;
	s5 =	simm.s32 @!p2 $0x0  }
0x1d: {  	s5 =	simm.s32 @p1 $0x1;
	p0 =	seq.s32 s7, s2  }
0x1e: {  	s7 =	smul.u32 @!p0 $0xF7A, s2;
	p2 =	seq.s32 @!p0 s5, $0x0  }
0x1f: {  	s9 =	smul.u32 $0xF7A, s1;
	s8 =	simm.s32 @!p0 $0x1BF5;
	p2 =	por !p2, p0  }
0x20: {  	[sflag:s8] =	ssyncset.s32 @!p0 $0xFFFFF086;
	s6 =	sadd.s32 @!p0 s3, s7;
	s7 =	simm.s32 @!p0 $0x108  }
0x21: {  	s3 =	sadd.s32 s3, s9;
	s6 =	sadd.s32 @!p0 $0x88, s6;
	s7 =	simm.s32 @p2 $0x1082  }
0x22: {  	[simem:s7], [sflag:s8] =	dma.local @!p0 [hbm:s6], $0xF7A  }
0x23: {  	s9 =	sor.u32 $0xD0000000, s2;
	s6 =	simm.s32 $0x108;
	_ =	swait.ge @!p0 [sflag:s8], $0x0  }
0x24: {  	s3 =	sadd.s32 $0x88, s3;
	s6 =	simm.s32 @!p1 $0x1082;
	[sflag:s4] =	ssyncset.s32 $0xFFFFF086  }
0x25: {  	[simem:s6], [sflag:s4] =	dma.local [hbm:s3], $0xF7A  }
0x26: {  	[smem:$0x3F9F] =	sst s1;
	(tag) =	ssettag s2;
	_ =	strace s9  }
0x27: {  	s1 =	sld [smem:$0x3FAF]  }
0x28: {  	s2 =	sld [smem:$0x3FB0]  }
0x29: {  	s4 =	sld [smem:$0x3FB2]  }
0x2a: {  	p0 =	seq.s32 s5, $0x0;
	s5 =	sld [smem:$0x3FB3]  }
0x2b: {  	s6 =	sld [smem:$0x3FB4]  }
0x2c: {  	s7 =	sld [smem:$0x3FB5]  }
0x2d: {  	s3 =	simm.s32 $0x108;
	s8 =	sld [smem:$0x3FB6]  }
0x2e: {  	s3 =	simm.s32 @!p0 $0x1082;
	s9 =	sld [smem:$0x3FB7]  }
0x2f: {  	lr =	sadd.s32 s0, s3;
	s0 =	sld [smem:$0x3FAE]  }
0x30: {  	s3 =	sld [smem:$0x3FB1]  }
0x31: {  	[smem:$0x3FBA] =	sst s10  }
0x32: {  	s10 =	sld [smem:$0x3FB8];
	_ =	sdelay $0x3  }
0x33: {  	p0 =	seq.s32 s10, $0x1;
	s10 =	sld [smem:$0x3FBA];
	_ =	sdelay $0x3  }
0x34: {  	[smem:$0x3FBA] =	sst s10  }
0x35: {  	s10 =	sld [smem:$0x3FB9];
	_ =	sdelay $0x3  }
0x36: {  	p1 =	seq.s32 s10, $0x1;
	s10 =	sld [smem:$0x3FBA];
	_ =	sdelay $0x3  }
0x37: {  	[smem:$0x3FBA] =	sst s10  }
0x38: {  	s10 =	sld [smem:$0x3FBB]  }
0x39: {  	_ = 	snop;
	(pc) =	sbr.ind lr, $3  }
0x3a: {  	_ = 	snop  }
0x3b: {  	_ = 	snop  }
0x3c: {  	p2 =	seq.s32 s10, $0x1;
	s10 =	sld [smem:$0x3FBA]  }
0x3d: {  	_ =	shalt  }
0x3e: {  	_ =	shalt  }
0x3f: {  	_ =	shalt  }
0x40: {  	_ =	shalt  }
0x41: {  	_ =	shalt  }
0x42: {  	_ =	shalt  }
0x43: {  	_ =	shalt  }
0x44: {  	_ =	shalt  }
0x45: {  	_ =	shalt  }
0x46: {  	_ =	shalt  }
0x47: {  	_ =	shalt  }
0x48: {  	_ =	shalt  }
0x49: {  	_ =	shalt  }
0x4a: {  	_ =	shalt  }
0x4b: {  	_ =	shalt  }
0x4c: {  	_ =	shalt  }
0x4d: {  	_ =	shalt  }
0x4e: {  	_ =	shalt  }
0x4f: {  	_ =	shalt  }
0x50: {  	_ =	shalt  }
0x51: {  	_ =	shalt  }
0x52: {  	_ =	shalt  }
0x53: {  	_ =	shalt  }
0x54: {  	_ =	shalt  }
0x55: {  	_ =	shalt  }
0x56: {  	_ =	shalt  }
0x57: {  	_ =	shalt  }
0x58: {  	_ =	shalt  }
0x59: {  	_ =	shalt  }
0x5a: {  	_ =	shalt  }
0x5b: {  	_ =	shalt  }
0x5c: {  	_ =	shalt  }
0x5d: {  	_ =	shalt  }
0x5e: {  	_ =	shalt  }
0x5f: {  	_ =	shalt  }
0x60: {  	_ =	shalt  }
0x61: {  	_ =	shalt  }
0x62: {  	_ =	shalt  }
0x63: {  	_ =	shalt  }
0x64: {  	_ =	shalt  }
0x65: {  	_ =	shalt  }
0x66: {  	_ =	shalt  }
0x67: {  	_ =	shalt  }
0x68: {  	_ =	shalt  }
0x69: {  	_ =	shalt  }
0x6a: {  	_ =	shalt  }
0x6b: {  	_ =	shalt  }
0x6c: {  	_ =	shalt  }
0x6d: {  	_ =	shalt  }
0x6e: {  	_ =	shalt  }
0x6f: {  	_ =	shalt  }
0x70: {  	_ =	shalt  }
0x71: {  	_ =	shalt  }
0x72: {  	_ =	shalt  }
0x73: {  	_ =	shalt  }
0x74: {  	_ =	shalt  }
0x75: {  	_ =	shalt  }
0x76: {  	_ =	shalt  }
0x77: {  	_ =	shalt  }
0x78: {  	_ =	shalt  }
0x79: {  	_ =	shalt  }
0x7a: {  	_ =	shalt  }
0x7b: {  	_ =	shalt  }
0x7c: {  	_ =	shalt  }
0x7d: {  	_ =	shalt  }
0x7e: {  	_ =	shalt  }
0x7f: {  	_ =	shalt  }
0x80: {  	_ =	shalt  }
0x81: {  	_ =	shalt  }
0x82: {  	_ =	shalt  }
0x83: {  	_ =	shalt  }
0x84: {  	_ =	shalt  }
0x85: {  	_ =	shalt  }
0x86: {  	_ =	shalt  }
0x87: {  	_ =	shalt  }
.Lfunc_end0:
.L_simem_size_0:
called_computation.1_lowered:
.L_overlay_start_0:
0x88: {  	s2 =	sld [smem:$0x3FD9]  }
0x89: {  	s3 =	sld [smem:$0x3FFE];
	_ =	sdelay $0x1  }
0x8a: {  	s1 =	srdreg.scid  }
0x8b: {  	s0 =	sand.u32 $0x1, s1  }
0x8c: {  	s17 =	sshll.u32 s0, $0xA;
	s2 =	sadd.s32 s3, s2  }
0x8d: {  	s2 =	sadd.s32 s2, s17  }
0x8e: {  	[smem:$0x3FC6] =	sst s2  }
0x8f: {  	_ = 	snop  }
0x90: {  	s2 =	sld [smem:$0x3FD0];
	(tm) =	ssettm $0x1  }
0x91: {  	s18 =	sld [smem:$0x3FFB];
	_ =	sdelay $0x3  }
0x92: {  	_ =	strace s18  }
0x93: {  	s3 =	sld [smem:$0x3FFC];
	_ =	sdelay $0x3  }
0x94: {  	_ =	strace s3  }
0x95: {  	s3 =	sld [smem:$0x3FFD];
	_ =	sdelay $0x3  }
0x96: {  	_ =	strace s3  }
0x97: {  	_ =	strace $0x8FFFFFFF  }
0x98: {  	s19 =	sld [smem:$0x3FDB];
	_ =	sdelay $0x1  }
0x99: {  	s4 =	simm.s32 $_scs_section_size  }
0x9a: {  	s5 =	simm.s32 $_size__tile_overlayer_lowered;
	s6 =	simm.s32 $_tile_overlayer_lowered  }
0x9b: {  	s22 =	simm.s32 $0x1BFF;
	s21 =	sshll.u32 s6, $0x1;
	s3 =	sadd.s32 s4, s19  }
0x9c: {  	s7 =	simm.s32 $0x0;
	s20 =	sshll.u32 s5, $0x1;
	s5 =	sadd.s32 s21, s3  }
0x9d: {  	[timem:s7], [sflag:s22] =	dma.local [hbm:s5], s20  }
0x9e: {  	_ =	swait.ge [sflag:s22], s20  }
0x9f: {  	s4 =	ssub.s32 $0x0, s20;
	[sflag:s22] =	ssyncset.done $0x0  }
0xa0: {  	[sflag:s22] =	ssyncadd.s32 s4;
	_ =	sdelay $0x1  }
0xa1: {  	s23 =	simm.s32 $0x1B8B  }
0xa2: {  	_ =	swait.ge [sflag:s23], $0x1  }
0xa3: {  	[sflag:s23] =	ssyncset.done $0x0  }
0xa4: {  	s25 =	simm.s32 $0x1B8E;
	s24 =	sld [smem:$0x3FFE];
	[sflag:s23] =	ssyncadd.s32 $0xFFFFFFFF  }
0xa5: {  	s26 =	simm.s32 $execute0_lowered;
	[smem:$0x3FD2] =	sst s25  }
0xa6: {  	s5 =	sshll.u32 s26, $0x1;
	_ =	strace $0x80000046;
	[dreg:$0x1] =	wrdreg $0xFFFFFFFF  }
0xa7: {  	s28 =	simm.s32 $_size_execute0_lowered;
	s3 =	sadd.s32 s3, s5;
	[dreg:$0x0] =	wrdreg $0x0  }
0xa8: {  	s5 =	sshll.u32 s28, $0x1;
	[dreg:$0x2] =	wrdreg s3  }
0xa9: {  	[dreg:$0x3] =	wrdreg s5  }
0xaa: {  	[dreg:$0x4] =	wrdreg $0xC0  }
0xab: {  	_ =	task [dreg:s7], $0x5FFFF  }
0xac: {  	[dreg:$0x1] =	wrdreg $0xFFFFFFFF  }
0xad: {  	[dreg:$0x0] =	wrdreg $0x60  }
0xae: {  	[dreg:$0x2] =	wrdreg s24  }
0xaf: {  	[dreg:$0x3] =	wrdreg s2  }
0xb0: {  	[dreg:$0x4] =	wrdreg $0x138000  }
0xb1: {  	[dreg:$0x5] =	wrdreg $0x9  }
0xb2: {  	_ =	task.clear_ibuf [dreg:s7], $0x6FFFF;
	_ =	strace $0x90000046  }
0xb3: {  	s29 =	simm.s32 $0x9;
	_ =	strace $0x80000048  }
0xb4: {  	_ =	swait.ge [sflag:s29], $0x1  }
0xb5: {  	[sflag:s29] =	ssyncadd.s32 $0xFFFFFFFF  }
0xb6: {  	_ =	strace $0x90000048  }
0xb7: {  	_ =	sfence  }
0xb8: {  	s30 =	sld [smem:$0x0];
	_ =	sdelay $0x2  }
0xb9: {  	s31 =	sshll.u32 s1, $0xD;
	s1 =	sshrl.u32 s1, $0x2  }
0xba: {  	s3 =	sand.u32 $0x4000, s31;
	s1 =	sadd.s32 s1, s30  }
0xbb: {  	s0 =	sor.u32 s3, s0;
	s1 =	sshll.u32 s1, $0x11  }
0xbc: {  	s0 =	sor.u32 s1, s0  }
0xbd: {  	s0 =	sadd.s32 $0x8F2B, s0  }
0xbe: {  	[sflag:s0] =	ssyncadd.remote.s32 $0x1  }
0xbf: {  	_ =	sfence.sel $0xFFFF  }
0xc0: {  	[dreg:$0x0] =	wrdreg $0xFFFFFFFF;
	(pc) =	sbr.abs _section_cstart, $3  }
0xc1: {  	[dreg:$0x1] =	wrdreg $0xFFFFFFFF  }
0xc2: {  	_ =	task.clear_ibuf [dreg:s7], $0x2FFFF;
	_ =	strace $0x9FFFFFFF  }
0xc3: {  	(tm) =	ssettm $0x7FFFFFFF  }
tec
execute0_lowered:
.L_overlay_start_1:
0x0: {  	(tag) =	ssettag $0x1  }
0x1: {  	s0 =	rddreg [dreg:$0x0]  }
0x2: {  	s3 =	rddreg [dreg:$0x1]  }
0x3: {  	s1 =	rddreg [dreg:$0x2]  }
0x4: {  	s4 =	srdreg.scid;
	s5 =	stileid.u32;
	s2 =	simm.s32 $0x0  }
0x5: {  	s10 =	simm.s32 $0x5;
	s11 =	simm.s32 $0x32;
	s12 =	simm.s32 $0x7000  }
0x6: {  	s14 =	simm.s32 $0x7C80;
	s16 =	simm.s32 $0x8900;
	s18 =	simm.s32 $0x9580  }
0x7: {  	s20 =	simm.s32 $0xA200;
	s29 =	simm.s32 $0xD400;
	s31 =	simm.s32 $0xE080  }
0x8: {  	s13 =	simm.s32 $0xED00;
	s17 =	simm.s32 $0xF980;
	s30 =	simm.s32 $0x11F00  }
0x9: {  	s15 =	simm.s32 $0x12B80;
	s19 =	simm.s32 $0x1;
	s28 =	simm.s32 $0x2  }
0xa: {  	s4 =	sand.u32 $0x1, s4;
	s6 =	sshll.u32 s5, $0x1;
	[smem:$0x7FF] =	sst s2  }
0xb: {  	s9 =	sadd.s32 $0x800, s0;
	s23 =	smul.u32 $0x64000, s5;
	p0 =	sne.s32 s5, $0x0  }
0xc: {  	s6 =	sor.u32 s4, s6;
	s8 =	ssub.s32 $0x2, s4;
	s4 =	smul.u32 $0x32000, s4  }
0xd: {  	_ =	strace $0x80000047;
	[dreg:$0x4] =	wrdreg s9;
	s7 =	smul.u32 $0xE00, s6  }
0xe: {  	s9 =	sshrl.u32 @!p0 s1, $0x3;
	s21 =	sshrl.u32 s8, $0x1;
	s6 =	smul.u32 $0x32000, s6  }
0xf: {  	s22 =	ssub.s32 s8, s21;
	s21 =	simm.s32 $0x10600;
	s0 =	sadd.s32 s7, s0  }
0x10: {  	s24 =	sadd.s32 s3, s6;
	s25 =	smax.u32 s22, $0x1;
	s3 =	sadd.s32 s23, s3  }
0x11: {  	s22 =	simm.s32 $0xAE80;
	s23 =	simm.s32 $0x3;
	s0 =	sadd.s32 $0xA00, s0  }
0x12: {  	[dreg:$0x6] =	wrdreg s25;
	s26 =	sadd.s32 $0x30700, s24;
	s8 =	sadd.s32 s4, s3  }
0x13: {  	s25 =	simm.s32 $0x11280;
	s3 =	simm.s32 $0x0;
	[dreg:$0x5] =	wrdreg s0  }
0x14: {  	[dreg:$0x7] =	wrdreg s26;
	s0 =	sadd.s32 $0x31380, s24;
	s24 =	simm.s32 $0xBB00  }
0x15: {  	s26 =	simm.s32 $0xC780;
	[dreg:$0x8] =	wrdreg s0;
	s0 =	simm.s32 $0x4  }
.LBB2_1:
0x16: {  	s4 =	simm.s32 @!p0 $0x1C05;
	s5 =	rddreg [dreg:$0x4]  }
0x17: {  	[spmem:s9], [sflag:s4] =	dma.local @!p0 [hbm:s5], $0x120  }
0x18: {  	s4 =	simm.s32 @!p0 $0x5  }
0x19: {  	_ =	swait.ge @!p0 [sflag:s4], $0x120  }
0x1a: {  	[sflag:s4] =	ssyncset.done @!p0 $0x0  }
0x1b: {  	s6 =	rddreg [dreg:$0x5];
	[sflag:s4] =	ssyncadd.s32 @!p0 $0xFFFFFEE0  }
0x1c: {  	[tilespmem:s2], [sflag:$0x5] =	stream.linear.gather [hbm4b:s6+s2], $0x7000, $0x38;
	[tilespmem:$0x13890] =	vst v63  }
0x1d: {  	_ =	swait.ge [sflag:s10], $0x7000  }
0x1e: {  	[sflag:s10] =	ssyncset.done $0x0  }
0x1f: {  	[sflag:s10] =	ssyncadd.s32 $0xFFFF9000  }
0x20: {  	[bflag:$0x0] =	sbarrier.arrive $0xFFFF  }
0x21: {  	[tilespmem:s12], [sflag:$0x1] =	stream.indirect.gather [spmem:s1], $0x40, s2, s11, $0xb8;
	[tilespmem:$0x13890] =	vst v63  }
0x22: {  	s7 =	simm.s32 $0x38  }
0x23: {  	[tilespmem:s14], [sflag:$0x1] =	stream.indirect.gather [spmem:s1], $0x40, s7, s11, $0xb8;
	[tilespmem:$0x13890] =	vst v63  }
0x24: {  	s5 =	simm.s32 $0x70  }
0x25: {  	[tilespmem:s16], [sflag:$0x1] =	stream.indirect.gather [spmem:s1], $0x40, s5, s11, $0xb8;
	[tilespmem:$0x13890] =	vst v63  }
0x26: {  	s6 =	simm.s32 $0xA8  }
0x27: {  	[tilespmem:s18], [sflag:$0x1] =	stream.indirect.gather [spmem:s1], $0x40, s6, s11, $0xb8;
	[tilespmem:$0x13890] =	vst v63  }
0x28: {  	s7 =	simm.s32 $0xE0  }
0x29: {  	[tilespmem:s20], [sflag:$0x1] =	stream.indirect.gather [spmem:s1], $0x40, s7, s11, $0xb8;
	[tilespmem:$0x13890] =	vst v63  }
0x2a: {  	s5 =	simm.s32 $0x118  }
0x2b: {  	[tilespmem:s22], [sflag:$0x1] =	stream.indirect.gather [spmem:s1], $0x40, s5, s11, $0xb8;
	[tilespmem:$0x13890] =	vst v63  }
0x2c: {  	s6 =	simm.s32 $0x150  }
0x2d: {  	[tilespmem:s24], [sflag:$0x1] =	stream.indirect.gather [spmem:s1], $0x40, s6, s11, $0xb8;
	[tilespmem:$0x13890] =	vst v63  }
0x2e: {  	s7 =	simm.s32 $0x188  }
0x2f: {  	[tilespmem:s26], [sflag:$0x1] =	stream.indirect.gather [spmem:s1], $0x40, s7, s11, $0xb8;
	[tilespmem:$0x13890] =	vst v63  }
0x30: {  	s5 =	simm.s32 $0x1C0  }
0x31: {  	[tilespmem:s29], [sflag:$0x2] =	stream.indirect.gather [spmem:s1], $0x40, s5, s11, $0xb8;
	[tilespmem:$0x13890] =	vst v63  }
0x32: {  	s6 =	simm.s32 $0x1F8  }
0x33: {  	[tilespmem:s31], [sflag:$0x2] =	stream.indirect.gather [spmem:s1], $0x40, s6, s11, $0xb8;
	[tilespmem:$0x13890] =	vst v63  }
0x34: {  	s7 =	simm.s32 $0x230  }
0x35: {  	[tilespmem:s13], [sflag:$0x2] =	stream.indirect.gather [spmem:s1], $0x40, s7, s11, $0xb8;
	[tilespmem:$0x13890] =	vst v63  }
0x36: {  	s5 =	simm.s32 $0x268  }
0x37: {  	[tilespmem:s17], [sflag:$0x2] =	stream.indirect.gather [spmem:s1], $0x40, s5, s11, $0xb8;
	[tilespmem:$0x13890] =	vst v63  }
0x38: {  	s6 =	simm.s32 $0x2A0  }
0x39: {  	[tilespmem:s21], [sflag:$0x2] =	stream.indirect.gather [spmem:s1], $0x40, s6, s11, $0xb8;
	[tilespmem:$0x13890] =	vst v63  }
0x3a: {  	s7 =	simm.s32 $0x2D8  }
0x3b: {  	[tilespmem:s25], [sflag:$0x2] =	stream.indirect.gather [spmem:s1], $0x40, s7, s11, $0xb8;
	[tilespmem:$0x13890] =	vst v63  }
0x3c: {  	s5 =	simm.s32 $0x310  }
0x3d: {  	[tilespmem:s30], [sflag:$0x2] =	stream.indirect.gather [spmem:s1], $0x40, s5, s11, $0xb8;
	[tilespmem:$0x13890] =	vst v63  }
0x3e: {  	s6 =	simm.s32 $0x348  }
0x3f: {  	[tilespmem:s15], [sflag:$0x2] =	stream.indirect.gather [spmem:s1], $0x40, s6, s11, $0xb8;
	[tilespmem:$0x13890] =	vst v63  }
0x40: {  	_ =	swait.ge [sflag:s19], $0x6400  }
0x41: {  	[sflag:s19] =	ssyncset.done $0x0  }
0x42: {  	[sflag:s19] =	ssyncadd.s32 $0xFFFF9C00  }
0x43: {  	[hbm4b:s8+s2] =	stream.linear.scatter [tilespmem:s12], [sflag:$0x3], $0x6400, $0x38;
	[tilespmem:$0x13890] =	vst v63  }
0x44: {  	_ =	swait.ge [sflag:s23], $0x6400  }
0x45: {  	[sflag:s23] =	ssyncset.done $0x0  }
0x46: {  	s7 =	simm.s32 $0x380;
	[sflag:s23] =	ssyncadd.s32 $0xFFFF9C00  }
0x47: {  	[tilespmem:s12], [sflag:$0x1] =	stream.indirect.gather [spmem:s1], $0x40, s7, s11, $0xb8;
	[tilespmem:$0x13890] =	vst v63  }
0x48: {  	s5 =	simm.s32 $0x3B8  }
0x49: {  	[tilespmem:s14], [sflag:$0x1] =	stream.indirect.gather [spmem:s1], $0x40, s5, s11, $0xb8;
	[tilespmem:$0x13890] =	vst v63  }
0x4a: {  	s6 =	simm.s32 $0x3F0  }
0x4b: {  	[tilespmem:s16], [sflag:$0x1] =	stream.indirect.gather [spmem:s1], $0x40, s6, s11, $0xb8;
	[tilespmem:$0x13890] =	vst v63  }
0x4c: {  	s7 =	simm.s32 $0x428  }
0x4d: {  	[tilespmem:s18], [sflag:$0x1] =	stream.indirect.gather [spmem:s1], $0x40, s7, s11, $0xb8;
	[tilespmem:$0x13890] =	vst v63  }
0x4e: {  	s5 =	simm.s32 $0x460  }
0x4f: {  	[tilespmem:s20], [sflag:$0x1] =	stream.indirect.gather [spmem:s1], $0x40, s5, s11, $0xb8;
	[tilespmem:$0x13890] =	vst v63  }
0x50: {  	s6 =	simm.s32 $0x498  }
0x51: {  	[tilespmem:s22], [sflag:$0x1] =	stream.indirect.gather [spmem:s1], $0x40, s6, s11, $0xb8;
	[tilespmem:$0x13890] =	vst v63  }
0x52: {  	s7 =	simm.s32 $0x4D0  }
0x53: {  	[tilespmem:s24], [sflag:$0x1] =	stream.indirect.gather [spmem:s1], $0x40, s7, s11, $0xb8;
	[tilespmem:$0x13890] =	vst v63  }
0x54: {  	s5 =	simm.s32 $0x508  }
0x55: {  	[tilespmem:s26], [sflag:$0x1] =	stream.indirect.gather [spmem:s1], $0x40, s5, s11, $0xb8;
	[tilespmem:$0x13890] =	vst v63  }
0x56: {  	_ =	swait.ge [sflag:s28], $0x6400  }
0x57: {  	[sflag:s28] =	ssyncset.done $0x0  }
0x58: {  	s6 =	sadd.s32 $0xC80, s8;
	[sflag:s28] =	ssyncadd.s32 $0xFFFF9C00  }
0x59: {  	[hbm4b:s6+s2] =	stream.linear.scatter [tilespmem:s29], [sflag:$0x4], $0x6400, $0x38;
	[tilespmem:$0x13890] =	vst v63  }
0x5a: {  	_ =	swait.ge [sflag:s0], $0x6400  }
0x5b: {  	[sflag:s0] =	ssyncset.done $0x0  }
0x5c: {  	s7 =	simm.s32 $0x540;
	[sflag:s0] =	ssyncadd.s32 $0xFFFF9C00  }
0x5d: {  	[tilespmem:s29], [sflag:$0x2] =	stream.indirect.gather [spmem:s1], $0x40, s7, s11, $0xb8;
	[tilespmem:$0x13890] =	vst v63  }
0x5e: {  	s5 =	simm.s32 $0x578  }
0x5f: {  	[tilespmem:s31], [sflag:$0x2] =	stream.indirect.gather [spmem:s1], $0x40, s5, s11, $0xb8;
	[tilespmem:$0x13890] =	vst v63  }
0x60: {  	s6 =	simm.s32 $0x5B0  }
0x61: {  	[tilespmem:s13], [sflag:$0x2] =	stream.indirect.gather [spmem:s1], $0x40, s6, s11, $0xb8;
	[tilespmem:$0x13890] =	vst v63  }
0x62: {  	s7 =	simm.s32 $0x5E8  }
0x63: {  	[tilespmem:s17], [sflag:$0x2] =	stream.indirect.gather [spmem:s1], $0x40, s7, s11, $0xb8;
	[tilespmem:$0x13890] =	vst v63  }
0x64: {  	s5 =	simm.s32 $0x620  }
0x65: {  	[tilespmem:s21], [sflag:$0x2] =	stream.indirect.gather [spmem:s1], $0x40, s5, s11, $0xb8;
	[tilespmem:$0x13890] =	vst v63  }
0x66: {  	s4 =	simm.s32 $0xE00;
	s6 =	simm.s32 $0x658  }
0x67: {  	[tilespmem:s25], [sflag:$0x2] =	stream.indirect.gather [spmem:s1], $0x40, s6, s11, $0xb8;
	[tilespmem:$0x13890] =	vst v63  }
0x68: {  	s7 =	simm.s32 $0x690;
	s5 =	sadd.s32 $0x1900, s8;
	s6 =	simm.s32 $0x6C8  }
0x69: {  	[tilespmem:s30], [sflag:$0x2] =	stream.indirect.gather [spmem:s1], $0x40, s7, s11, $0xb8;
	[tilespmem:$0x13890] =	vst v63  }
.LBB2_2:
0x6a: {  	[tilespmem:s15], [sflag:$0x2] =	stream.indirect.gather [spmem:s1], $0x40, s6, s11, $0xb8;
	[tilespmem:$0x13890] =	vst v63  }
0x6b: {  	s6 =	smov.u32 s4  }
0x6c: {  	p1 =	sne.s32 s4, $0x1A400;
	s4 =	sadd.s32 $0xE00, s4;
	_ =	swait.ge [sflag:s19], $0x6400  }
0x6d: {  	[sflag:s19] =	ssyncset.done $0x0  }
0x6e: {  	[sflag:s19] =	ssyncadd.s32 $0xFFFF9C00  }
0x6f: {  	[hbm4b:s5+s2] =	stream.linear.scatter [tilespmem:s12], [sflag:$0x3], $0x6400, $0x38;
	[tilespmem:$0x13890] =	vst v63  }
0x70: {  	_ =	swait.ge [sflag:s23], $0x6400  }
0x71: {  	s6 =	sshra.s32 s6, $0x2;
	[sflag:s23] =	ssyncset.done $0x0  }
0x72: {  	s7 =	sadd.s32 $0x380, s6;
	[sflag:s23] =	ssyncadd.s32 $0xFFFF9C00  }
0x73: {  	[tilespmem:s12], [sflag:$0x1] =	stream.indirect.gather [spmem:s1], $0x40, s7, s11, $0xb8;
	[tilespmem:$0x13890] =	vst v63  }
0x74: {  	s7 =	sadd.s32 $0x3B8, s6  }
0x75: {  	[tilespmem:s14], [sflag:$0x1] =	stream.indirect.gather [spmem:s1], $0x40, s7, s11, $0xb8;
	[tilespmem:$0x13890] =	vst v63  }
0x76: {  	s7 =	sadd.s32 $0x3F0, s6  }
0x77: {  	[tilespmem:s16], [sflag:$0x1] =	stream.indirect.gather [spmem:s1], $0x40, s7, s11, $0xb8;
	[tilespmem:$0x13890] =	vst v63  }
0x78: {  	s7 =	sadd.s32 $0x428, s6  }
0x79: {  	[tilespmem:s18], [sflag:$0x1] =	stream.indirect.gather [spmem:s1], $0x40, s7, s11, $0xb8;
	[tilespmem:$0x13890] =	vst v63  }
0x7a: {  	s7 =	sadd.s32 $0x460, s6  }
0x7b: {  	[tilespmem:s20], [sflag:$0x1] =	stream.indirect.gather [spmem:s1], $0x40, s7, s11, $0xb8;
	[tilespmem:$0x13890] =	vst v63  }
0x7c: {  	s7 =	sadd.s32 $0x498, s6  }
0x7d: {  	[tilespmem:s22], [sflag:$0x1] =	stream.indirect.gather [spmem:s1], $0x40, s7, s11, $0xb8;
	[tilespmem:$0x13890] =	vst v63  }
0x7e: {  	s7 =	sadd.s32 $0x4D0, s6  }
0x7f: {  	[tilespmem:s24], [sflag:$0x1] =	stream.indirect.gather [spmem:s1], $0x40, s7, s11, $0xb8;
	[tilespmem:$0x13890] =	vst v63  }
0x80: {  	s7 =	sadd.s32 $0x508, s6  }
0x81: {  	[tilespmem:s26], [sflag:$0x1] =	stream.indirect.gather [spmem:s1], $0x40, s7, s11, $0xb8;
	[tilespmem:$0x13890] =	vst v63  }
0x82: {  	_ =	swait.ge [sflag:s28], $0x6400  }
0x83: {  	[sflag:s28] =	ssyncset.done $0x0  }
0x84: {  	s7 =	sadd.s32 $0xC80, s5;
	[sflag:s28] =	ssyncadd.s32 $0xFFFF9C00  }
0x85: {  	[hbm4b:s7+s2] =	stream.linear.scatter [tilespmem:s29], [sflag:$0x4], $0x6400, $0x38;
	[tilespmem:$0x13890] =	vst v63  }
0x86: {  	_ =	swait.ge [sflag:s0], $0x6400  }
0x87: {  	[sflag:s0] =	ssyncset.done $0x0  }
0x88: {  	s7 =	sadd.s32 $0x540, s6;
	[sflag:s0] =	ssyncadd.s32 $0xFFFF9C00  }
0x89: {  	[tilespmem:s29], [sflag:$0x2] =	stream.indirect.gather [spmem:s1], $0x40, s7, s11, $0xb8;
	[tilespmem:$0x13890] =	vst v63  }
0x8a: {  	s7 =	sadd.s32 $0x578, s6  }
0x8b: {  	[tilespmem:s31], [sflag:$0x2] =	stream.indirect.gather [spmem:s1], $0x40, s7, s11, $0xb8;
	[tilespmem:$0x13890] =	vst v63  }
0x8c: {  	s7 =	sadd.s32 $0x5B0, s6  }
0x8d: {  	[tilespmem:s13], [sflag:$0x2] =	stream.indirect.gather [spmem:s1], $0x40, s7, s11, $0xb8;
	[tilespmem:$0x13890] =	vst v63  }
0x8e: {  	s7 =	sadd.s32 $0x5E8, s6  }
0x8f: {  	[tilespmem:s17], [sflag:$0x2] =	stream.indirect.gather [spmem:s1], $0x40, s7, s11, $0xb8;
	[tilespmem:$0x13890] =	vst v63  }
0x90: {  	s7 =	sadd.s32 $0x620, s6  }
0x91: {  	[tilespmem:s21], [sflag:$0x2] =	stream.indirect.gather [spmem:s1], $0x40, s7, s11, $0xb8;
	[tilespmem:$0x13890] =	vst v63  }
.Ltmp0:
0x92: {  	s7 =	sadd.s32 $0x658, s6;
	(pc) =	sbr.rel @p1 .LBB2_2-.Ltmp0, $4  }
0x93: {  	[tilespmem:s25], [sflag:$0x2] =	stream.indirect.gather [spmem:s1], $0x40, s7, s11, $0xb8;
	[tilespmem:$0x13890] =	vst v63  }
0x94: {  	s7 =	sadd.s32 $0x690, s6  }
0x95: {  	[tilespmem:s30], [sflag:$0x2] =	stream.indirect.gather [spmem:s1], $0x40, s7, s11, $0xb8;
	[tilespmem:$0x13890] =	vst v63  }
0x96: {  	s5 =	sadd.s32 $0x1900, s5;
	s6 =	sadd.s32 $0x6C8, s6  }
0x97: {  	[tilespmem:s15], [sflag:$0x2] =	stream.indirect.gather [spmem:s1], $0x40, s6, s11, $0xb8;
	[tilespmem:$0x13890] =	vst v63  }
0x98: {  	_ =	swait.ge [sflag:s19], $0x6400  }
0x99: {  	[sflag:s19] =	ssyncset.done $0x0  }
0x9a: {  	s4 =	rddreg [dreg:$0x7];
	[sflag:s19] =	ssyncadd.s32 $0xFFFF9C00  }
0x9b: {  	[hbm4b:s4+s2] =	stream.linear.scatter [tilespmem:s12], [sflag:$0x3], $0x6400, $0x38;
	[tilespmem:$0x13890] =	vst v63  }
0x9c: {  	_ =	swait.ge [sflag:s23], $0x6400  }
0x9d: {  	[sflag:s23] =	ssyncset.done $0x0  }
0x9e: {  	[sflag:s23] =	ssyncadd.s32 $0xFFFF9C00  }
0x9f: {  	_ =	swait.ge [sflag:s28], $0x6400  }
0xa0: {  	[sflag:s28] =	ssyncset.done $0x0  }
0xa1: {  	s6 =	rddreg [dreg:$0x8];
	[sflag:s28] =	ssyncadd.s32 $0xFFFF9C00  }
0xa2: {  	[hbm4b:s6+s2] =	stream.linear.scatter [tilespmem:s29], [sflag:$0x4], $0x6400, $0x38;
	[tilespmem:$0x13890] =	vst v63  }
0xa3: {  	_ =	swait.ge [sflag:s0], $0x6400  }
0xa4: {  	s3 =	sadd.s32 $0x1, s3;
	s7 =	rddreg [dreg:$0x6]  }
0xa5: {  	p1 =	sne.s32 s3, s7  }
.Ltmp1:
0xa6: {  	_ = 	snop;
	(pc) =	sbr.rel @p1 .LBB2_1-.Ltmp1, $3  }
0xa7: {  	_ =	sdelay $0x1  }
0xa8: {  	[sflag:s0] =	ssyncset.done $0x0  }
0xa9: {  	[sflag:s0] =	ssyncadd.s32 $0xFFFF9C00  }
0xaa: {  	_ =	sfence.sel $0x180000  }
0xab: {  	[bflag:$0x0] =	sbarrier.arrive $0xFFFF  }
0xac: {  	_ =	strace $0x90000047  }
0xad: {  	[bflag:$0x2] =	sbarrier.arrive $0xFFFF  }
0xae: {  	s0 =	rddreg [dreg:$0x3]  }
0xaf: {  	s0 =	sadd.s32 @!p0 $0x100000, s0  }
0xb0: {  	[sflag:s0] =	ssyncadd.tile.s32 @!p0 $0x1;
	_ =	shalt  }
.Lfunc_end2:
_tile_overlayer_lowered:
.L_overlay_start_2:
0xb1: {  	(tag) =	ssettag $0x2  }
0xb2: {  	s0 =	rddreg [dreg:$0x0];
	s2 =	stileid.u32  }
0xb3: {  	s1 =	rddreg [dreg:$0x1];
	p0 =	sne.s32 s2, $0x0  }
0xb4: {  	s3 =	rddreg [dreg:$0x2];
	[bflag:$0x3] =	sbarrier.arrive $0xFFFF;
	s2 =	simm.s32 @!p0 $0x1C05  }
0xb5: {  	[timem:s3], [sflag:s2] =	dma.local @!p0 [hbm:s0], s1  }
0xb6: {  	s0 =	simm.s32 @!p0 $0x5  }
0xb7: {  	_ =	swait.ge @!p0 [sflag:s0], s1  }
0xb8: {  	s1 =	ssub.s32 @!p0 $0x0, s1;
	[sflag:s0] =	ssyncset.done @!p0 $0x0  }
0xb9: {  	[sflag:s0] =	ssyncadd.s32 @!p0 s1  }
0xba: {  	[bflag:$0x3] =	sbarrier.arrive $0xFFFF  }
0xbb: {  	_ =	shalt  }

// kernel: sparse-core-data-format-call.cloned.1.call-start
scs
called_computation_lowered:
.L_overlay_start_0:
0x0: {  	s2 =	sld [smem:$0x3FD9]  }
0x1: {  	s3 =	sld [smem:$0x3FFE];
	_ =	sdelay $0x1  }
0x2: {  	s1 =	srdreg.scid  }
0x3: {  	s0 =	sand.u32 $0x1, s1  }
0x4: {  	s18 =	sshll.u32 s0, $0xA;
	s2 =	sadd.s32 s3, s2  }
0x5: {  	s2 =	sadd.s32 s2, s18  }
0x6: {  	[smem:$0x3FC6] =	sst s2  }
0x7: {  	_ = 	snop  }
0x8: {  	s2 =	sld [smem:$0x3FD0];
	(tm) =	ssettm $0x1  }
0x9: {  	s19 =	sld [smem:$0x3FFB];
	_ =	sdelay $0x3  }
0xa: {  	_ =	strace s19  }
0xb: {  	s3 =	sld [smem:$0x3FFC];
	_ =	sdelay $0x3  }
0xc: {  	_ =	strace s3  }
0xd: {  	s3 =	sld [smem:$0x3FFD];
	_ =	sdelay $0x3  }
0xe: {  	_ =	strace s3  }
0xf: {  	_ =	strace $0x8FFFFFFF  }
0x10: {  	s20 =	sld [smem:$0x3FDB];
	_ =	sdelay $0x1  }
0x11: {  	s4 =	simm.s32 $_scs_section_size  }
0x12: {  	s5 =	simm.s32 $_size__tile_overlayer_lowered;
	s6 =	simm.s32 $_tile_overlayer_lowered  }
0x13: {  	s23 =	simm.s32 $0x1BFF;
	s22 =	sshll.u32 s6, $0x1;
	s3 =	sadd.s32 s4, s20  }
0x14: {  	s7 =	simm.s32 $0x0;
	s21 =	sshll.u32 s5, $0x1;
	s5 =	sadd.s32 s22, s3  }
0x15: {  	[timem:s7], [sflag:s23] =	dma.local [hbm:s5], s21  }
0x16: {  	_ =	swait.ge [sflag:s23], s21  }
0x17: {  	s4 =	ssub.s32 $0x0, s21;
	[sflag:s23] =	ssyncset.done $0x0  }
0x18: {  	[sflag:s23] =	ssyncadd.s32 s4;
	_ =	sdelay $0x1  }
0x19: {  	s24 =	simm.s32 $0x1B8B  }
0x1a: {  	_ =	swait.ge [sflag:s24], $0x1  }
0x1b: {  	[sflag:s24] =	ssyncset.done $0x0  }
0x1c: {  	s26 =	simm.s32 $0x1B8E;
	s25 =	sld [smem:$0x3FFE];
	[sflag:s24] =	ssyncadd.s32 $0xFFFFFFFF  }
0x1d: {  	s27 =	simm.s32 $execute0_lowered;
	[smem:$0x3FD2] =	sst s26  }
0x1e: {  	s5 =	sshll.u32 s27, $0x1;
	_ =	strace $0x80000049;
	[dreg:$0x1] =	wrdreg $0xFFFFFFFF  }
0x1f: {  	s28 =	simm.s32 $_size_execute0_lowered;
	s3 =	sadd.s32 s3, s5;
	[dreg:$0x0] =	wrdreg $0x0  }
0x20: {  	s5 =	sshll.u32 s28, $0x1;
	[dreg:$0x2] =	wrdreg s3  }
0x21: {  	[dreg:$0x3] =	wrdreg s5  }
0x22: {  	[dreg:$0x4] =	wrdreg $0xC0  }
0x23: {  	_ =	task [dreg:s7], $0x5FFFF  }
0x24: {  	[dreg:$0x1] =	wrdreg $0xFFFFFFFF  }
0x25: {  	[dreg:$0x0] =	wrdreg $0x60  }
0x26: {  	[dreg:$0x2] =	wrdreg s25  }
0x27: {  	[dreg:$0x3] =	wrdreg s2  }
0x28: {  	[dreg:$0x4] =	wrdreg $0x9  }
0x29: {  	_ =	task.clear_ibuf [dreg:s7], $0x5FFFF;
	_ =	strace $0x90000049  }
0x2a: {  	s29 =	simm.s32 $0x9;
	_ =	strace $0x8000004B  }
0x2b: {  	_ =	swait.ge [sflag:s29], $0x1  }
0x2c: {  	[sflag:s29] =	ssyncadd.s32 $0xFFFFFFFF  }
0x2d: {  	_ =	strace $0x9000004B  }
0x2e: {  	_ =	sfence  }
0x2f: {  	s30 =	sld [smem:$0x0];
	_ =	sdelay $0x2  }
0x30: {  	s31 =	sshll.u32 s1, $0xD;
	s1 =	sshrl.u32 s1, $0x2  }
0x31: {  	s3 =	sand.u32 $0x4000, s31;
	s1 =	sadd.s32 s1, s30  }
0x32: {  	s0 =	sor.u32 s3, s0;
	s1 =	sshll.u32 s1, $0x11  }
0x33: {  	s0 =	sor.u32 s1, s0  }
0x34: {  	s0 =	sadd.s32 $0x8F2B, s0  }
0x35: {  	[sflag:s0] =	ssyncadd.remote.s32 $0x1  }
0x36: {  	_ =	sfence.sel $0xFFFF  }
0x37: {  	[dreg:$0x0] =	wrdreg $0xFFFFFFFF;
	(pc) =	sbr.abs _section_cstart, $3  }
0x38: {  	[dreg:$0x1] =	wrdreg $0xFFFFFFFF  }
0x39: {  	_ =	task.clear_ibuf [dreg:s7], $0x2FFFF;
	_ =	strace $0x9FFFFFFF  }
0x3a: {  	(tm) =	ssettm $0x7FFFFFFF  }
0x3b: {  	_ =	shalt  }
tec
execute0_lowered:
.L_overlay_start_1:
0x0: {  	(tag) =	ssettag $0x1  }
0x1: {  	s0 =	srdreg.scid  }
0x2: {  	s1 =	sshll.u32 s0, $0x4  }
0x3: {  	s0 =	stileid.u32;
	s1 =	sand.u32 $0x10, s1  }
0x4: {  	s1 =	sor.u32 s0, s1  }
0x5: {  	s6 =	rddreg [dreg:$0x0];
	s4 =	simm.s32 $0x1;
	s2 =	sshll.u32 s1, $0x7  }
0x6: {  	s7 =	simm.s32 $0x2;
	s12 =	simm.s32 $0x0;
	s1 =	ssub.s32 $0x4000, s2  }
0x7: {  	s8 =	simm.s32 $0x20000;
	s13 =	simm.s32 $0x0;
	s3 =	sand.u32 $0xF80, s1  }
0x8: {  	s9 =	simm.s32 $0x0;
	s5 =	sshrl.u32 s1, $0xC;
	p0 =	sne.s32 s3, $0x0  }
.Ltmp0:
0x9: {  	s1 =	rddreg [dreg:$0x2];
	s4 =	simm.s32 @!p0 $0x0;
	(pc) =	sbr.rel .LBB1_1-.Ltmp0, $4  }
0xa: {  	s11 =	simm.s32 $0x0;
	s3 =	rddreg [dreg:$0x1];
	s5 =	sadd.s32 s4, s5  }
0xb: {  	_ =	strace $0x8000004A;
	s4 =	simm.s32 $0x1;
	s5 =	smul.u32 $0x32, s5  }
0xc: {  	s6 =	sadd.s32 $0x800, s6;
	s10 =	smov.u32 s2;
	[sflag:s4] =	ssyncpa.u1 $0x0  }
0xd: {  	p0 =	por $0x0, $0x0;
	[sflag:s7] =	ssyncpa.u1 $0x0;
	s7 =	sor.u32 $0x1, s5  }
.LBB1_4:
0xe: {  	s16 =	sshll.u32 s13, $0x3;
	s17 =	sand.u32 $0x78, s13  }
0xf: {  	s30 =	sand.u32 $0x1F800, s13;
	s12 =	sshll.u32 s12, $0x11;
	s16 =	sand.u32 $0x3C00, s16  }
0x10: {  	[tilespmem:s15+$0x810 ss:$0x81] =	vst.msk $0xffff, v2;
	s31 =	sand.u32 $0x7, s13;
	s16 =	sor.u32 s17, s16;
	s17 =	sadd.s32 s3, s30  }
0x11: {  	[tilespmem:s15+$0x1020 ss:$0x81] =	vst.msk $0xffff, v0;
	s13 =	sshll.u32 s31, $0x12;
	s12 =	sadd.s32 s12, s17;
	s16 =	sshrl.u32 s16, $0x3  }
0x12: {  	[tilespmem:s15+$0x0 ss:$0x81] =	vst.msk $0xffff, v1;
	s13 =	sor.u32 $0x400, s13;
	s12 =	sadd.s32 s16, s12  }
0x13: {  	[hbm4b:s12+s13] =	stream.strided.scatter [tilespmem:s14], [sflag:$0x2], $0x2000, s8, s13, $0x20;
	[tilespmem:$0x8080] =	vst v63  }
.LBB1_5:
0x14: {  	s14 =	sadd.s32 $0x1, s9  }
0x15: {  	s12 =	sadd.s32 $0x1000, s10;
	s16 =	smov.u32 s10;
	p2 =	sgt.s32 s14, $0x31  }
0x16: {  	s16 =	smov.u32 @p2 s12  }
0x17: {  	s14 =	simm.s32 @p2 $0x0;
	p2 =	sgt.s32 s16, $0x3FFF  }
0x18: {  	s16 =	smov.u32 @p2 s2;
	p2 =	sne.s32 s11, s7  }
.Ltmp1:
0x19: {  	p1 =	slt.u32 s11, $0x2;
	(pc) =	sbr.rel @!p2 .LBB1_6-.Ltmp1, $4  }
0x1a: {  	s15 =	simm.s32 @!p1 $0x2  }
0x1b: {  	s13 =	smov.u32 s10;
	p0 =	por !p0, !p0;
	_ =	swait.ge @!p1 [sflag:s15], $0x2000  }
0x1c: {  	s12 =	smov.u32 s9;
	[sflag:s15] =	ssyncset.done @!p1 $0x0;
	s9 =	smov.u32 s14  }
0x1d: {  	s11 =	sadd.s32 $0x1, s11;
	[sflag:s15] =	ssyncadd.s32 @!p1 $0xFFFFE000;
	s10 =	smov.u32 s16  }
.LBB1_1:
0x1e: {  	p1 =	sge.u32 s11, s5  }
0x1f: {  	s14 =	sand.u32 @!p1 $0x1FFFFFF, s9  }
0x20: {  	s15 =	smulhi.u32 @!p1 $0x4924925, s14;
	_ =	sdelay $0x1  }
0x21: {  	s15 =	smul.u32 @!p1 $0x38, s15  }
0x22: {  	s16 =	sxor.u32 @!p1 $0xFFFFFFFF, s11;
	s17 =	smul.u32 @!p1 $0x380, s10  }
0x23: {  	s31 =	sadd.s32 $0xFFFFFFFF, s11;
	s16 =	sshll.u32 @!p1 s16, $0xD;
	s14 =	ssub.s32 @!p1 s14, s15  }
0x24: {  	s15 =	sand.u32 @!p1 $0x2000, s16;
	s16 =	sadd.s32 @!p1 s6, s17;
	s14 =	sshll.u32 @!p1 s14, $0x4  }
0x25: {  	s17 =	simm.s32 @!p1 $0x1C00;
	s14 =	sadd.s32 @!p1 s14, s16;
	s16 =	simm.s32 @!p1 $0x40  }
0x26: {  	[tilespmem:s15], [sflag:$0x1] =	stream.strided.gather @!p1 [hbm4b:s14+s16], $0x2000, s17, s16, $0x38;
	[tilespmem:$0x8080] =	vst v63  }
0x27: {  	p1 =	sge.u32 s31, s5  }
.Ltmp2:
0x28: {  	_ = 	snop;
	(pc) =	sbr.rel @p1 .LBB1_5-.Ltmp2, $1  }
0x29: {  	_ =	sdelay $0x3  }
0x2a: {  	s14 =	simm.s32 $0x1  }
0x2b: {  	_ =	swait.ge [sflag:s4], $0x2000;
	s14 =	simm.s32 @!p0 $0x0  }
0x2c: {  	[sflag:s4] =	ssyncset.done $0x0;
	s15 =	sshll.u32 s14, $0xD  }
0x2d: {  	[sflag:s4] =	ssyncadd.s32 $0xFFFFE000;
	s18 =	sor.u32 $0x20, s15  }
0x2e: {  	s14 =	smul.u32 $0x8100, s14;
	v3 =	vld [tilespmem:s18+$0x10]  }
0x2f: {  	s30 =	sand.u32 $0x1, s11;
	v2 =	vld [tilespmem:s18+$0xFFFFFFF0]  }
0x30: {  	s15 =	smul.u32 $0x8100, s30;
	s14 =	sshrl.u32 s14, $0x2;
	v0 =	vld [tilespmem:s18+$0x0]  }
0x31: {  	v1 =	vld [tilespmem:s18+$0xFFFFFFE0];
	s16 =	sor.u32 $0x4000, s14  }
0x32: {  	s31 =	sshrl.u32 s15, $0x2;
	s15 =	sadd.s32 $0x0, s16  }
0x33: {  	s17 =	simm.s32 $0x4;
	s18 =	sadd.s32 $0x40, s18;
	s14 =	sor.u32 $0x4000, s31;
	[tilespmem:s15+$0x1830 ss:$0x81] =	vst.msk $0xffff, v3  }
.LBB1_3:
0x34: {  	v3 =	vld [tilespmem:s18+$0x10];
	p1 =	sne.s32 s17, $0x1FC;
	[tilespmem:s15+$0x810 ss:$0x81] =	vst.msk $0xffff, v2;
	s19 =	smov.u32 s17;
	s17 =	sadd.s32 $0x4, s17  }
.Ltmp3:
0x35: {  	v2 =	vld [tilespmem:s18+$0xFFFFFFF0];
	[tilespmem:s15+$0x1020 ss:$0x81] =	vst.msk $0xffff, v0;
	(pc) =	sbr.rel @p1 .LBB1_3-.Ltmp3, $4  }
0x36: {  	v0 =	vld [tilespmem:s18+$0x0];
	[tilespmem:s15+$0x0 ss:$0x81] =	vst.msk $0xffff, v1  }
0x37: {  	s15 =	sshra.s32 s19, $0x2;
	v1 =	vld [tilespmem:s18+$0xFFFFFFE0]  }
0x38: {  	s15 =	sadd.s32 s15, s16  }
0x39: {  	s18 =	sadd.s32 $0x40, s18;
	[tilespmem:s15+$0x1830 ss:$0x81] =	vst.msk $0xffff, v3  }
.Ltmp4:
0x3a: {  	_ = 	snop;
	(pc) =	sbr.rel .LBB1_4-.Ltmp4, $1  }
0x3b: {  	_ =	sdelay $0x3  }
.LBB1_6:
0x3c: {  	_ =	sfence.sel $0x180000  }
0x3d: {  	s2 =	simm.s32 $0x1;
	[bflag:$0x0] =	sbarrier.arrive $0xFFFF  }
0x3e: {  	s31 =	simm.s32 $0x2;
	[sflag:s2] =	ssyncpa.u1 $0x1  }
0x3f: {  	[sflag:s31] =	ssyncpa.u1 $0x1  }
0x40: {  	p0 =	sne.s32 s0, $0x0;
	_ =	strace $0x9000004A  }
0x41: {  	s0 =	sadd.s32 @!p0 $0x100000, s1;
	[bflag:$0x2] =	sbarrier.arrive $0xFFFF  }
0x42: {  	[sflag:s0] =	ssyncadd.tile.s32 @!p0 $0x1;
	_ =	shalt  }
.Lfunc_end1:
_tile_overlayer_lowered:
.L_overlay_start_2:
0x43: {  	(tag) =	ssettag $0x2  }
0x44: {  	s0 =	rddreg [dreg:$0x0];
	s2 =	stileid.u32  }
0x45: {  	s1 =	rddreg [dreg:$0x1];
	p0 =	sne.s32 s2, $0x0  }
0x46: {  	s3 =	rddreg [dreg:$0x2];
	[bflag:$0x3] =	sbarrier.arrive $0xFFFF;
	s2 =	simm.s32 @!p0 $0x1C01  }
0x47: {  	[timem:s3], [sflag:s2] =	dma.local @!p0 [hbm:s0], s1  }
0x48: {  	s0 =	simm.s32 @!p0 $0x1  }
0x49: {  	_ =	swait.ge @!p0 [sflag:s0], s1  }
0x4a: {  	s1 =	ssub.s32 @!p0 $0x0, s1;
	[sflag:s0] =	ssyncset.done @!p0 $0x0  }
0x4b: {  	[sflag:s0] =	ssyncadd.s32 @!p0 s1  }
0x4c: {  	[bflag:$0x3] =	sbarrier.arrive $0xFFFF  }
0x4d: {  	_ =	shalt  }

</sc_bundles>
